<compile_context>
chip_gen: v7x
topology: tpu7x:2x2x1
jax: 0.10.2.dev20260603
libtpu: 0.0.44.dev20260713+nightly
codegen_flags: <defaults>
</compile_context>

<pallas_src>
import functools

import jax
import jax.numpy as jnp
from jax import lax
from jax.experimental import pallas as pl
from jax.experimental.pallas import tpu as pltpu
from jax.experimental.pallas import tpu_sc as plsc

N = 10000
E = 320000
D = 128
H = 256
DO = 128

NW = 32
K = 80
CH = 128
EP = NW * CH * K
PW = CH * K
R = 10240
ZR = R // 16

_mesh = plsc.VectorSubcoreMesh(core_axis_name="c", subcore_axis_name="s")


@functools.partial(
    pl.kernel,
    mesh=_mesh,
    out_type=jax.ShapeDtypeStruct((2, R, D), jnp.float32),
    scratch_types=(
        [pltpu.VMEM((K,), jnp.int32) for _ in range(8)]
        + [pltpu.VMEM((K,), jnp.int32) for _ in range(8)]
        + [pltpu.VMEM((K, D), jnp.float32) for _ in range(4)]
        + [pltpu.VMEM_SHARED((R, D), jnp.float32)]
        + [pltpu.SemaphoreType.DMA for _ in range(16)]
    ),
)
def _sc_seg_sum(x_hbm, src_hbm, dst_hbm, zeros_hbm, out_hbm, *sc):
    sidx = sc[0:8]
    didx = sc[8:16]
    rows = sc[16:20]
    acc = sc[20]
    g = sc[21:25]
    s = sc[25:29]
    isem = sc[29:37]

    cx = lax.axis_index("c")
    sx = lax.axis_index("s")
    wid = sx * 2 + cx
    for z in range(ZR // 128):
        pltpu.sync_copy(zeros_hbm, acc.at[pl.ds(sx * ZR + z * 128, 128)])
    plsc.subcore_barrier()

    for cc in range(4):
        pltpu.async_copy(src_hbm.at[wid, cc], sidx[cc], isem[cc])
        pltpu.async_copy(dst_hbm.at[wid, cc], didx[cc], isem[cc])
    for cc in range(2):
        pltpu.make_async_copy(src_hbm.at[wid, cc], sidx[cc], isem[cc]).wait()
        pltpu.make_async_copy(dst_hbm.at[wid, cc], didx[cc], isem[cc]).wait()
        pltpu.async_copy(x_hbm.at[sidx[cc]], rows[cc], g[cc])

    def body(j, carry):
        for k in range(8):
            c = 8 * j + k
            kr = k % 4
            k2r = (k + 2) % 4
            k2 = (k + 2) % 8
            k4 = (k + 4) % 8
            k6 = (k + 6) % 8

            def drain_cm2():
                pltpu.make_async_copy(
                    rows[k2r], acc.at[didx[k6]], s[k2r]).wait()

            if k >= 2:
                drain_cm2()
            else:
                pl.when(j > 0)(drain_cm2)

            def gather_cp2():
                pltpu.make_async_copy(
                    src_hbm.at[wid, c + 2], sidx[k2], isem[k2]).wait()
                pltpu.make_async_copy(
                    dst_hbm.at[wid, c + 2], didx[k2], isem[k2]).wait()
                pltpu.async_copy(x_hbm.at[sidx[k2]], rows[k2r], g[k2r])

            if k < 6:
                gather_cp2()
            else:
                pl.when(j < CH // 8 - 1)(gather_cp2)

            pltpu.make_async_copy(x_hbm.at[sidx[k]], rows[kr], g[kr]).wait()
            pltpu.async_copy(rows[kr], acc.at[didx[k]], s[kr], add=True)

            def idx_cp4():
                pltpu.async_copy(src_hbm.at[wid, c + 4], sidx[k4], isem[k4])
                pltpu.async_copy(dst_hbm.at[wid, c + 4], didx[k4], isem[k4])

            if k < 4:
                idx_cp4()
            else:
                pl.when(j < CH // 8 - 1)(idx_cp4)
        return carry

    lax.fori_loop(0, CH // 8, body, 0)

    pltpu.make_async_copy(rows[2], acc.at[didx[6]], s[2]).wait()
    pltpu.make_async_copy(rows[3], acc.at[didx[7]], s[3]).wait()

    plsc.subcore_barrier()
    pltpu.sync_copy(acc.at[pl.ds(sx * ZR, ZR)], out_hbm.at[cx, pl.ds(sx * ZR, ZR)])


def _mlp_body(x_ref, p0_ref, p1_ref, w1_ref, b1_ref, w2_ref, b2_ref, o_ref):
    feat = x_ref[...] + p0_ref[...] + p1_ref[...]
    h = jnp.dot(feat, w1_ref[...], preferred_element_type=jnp.float32)
    h = jnp.maximum(h + b1_ref[...], 0.0)
    o = jnp.dot(h, w2_ref[...], preferred_element_type=jnp.float32)
    o_ref[...] = o + b2_ref[...]


BM = 2000


def _tc_mlp(x, p0, p1, w1t, b1, w2t, b2):
    return pl.pallas_call(
        _mlp_body,
        grid=(N // BM,),
        in_specs=[
            pl.BlockSpec((BM, D), lambda i: (i, 0)),
            pl.BlockSpec((BM, D), lambda i: (i, 0)),
            pl.BlockSpec((BM, D), lambda i: (i, 0)),
            pl.BlockSpec((D, H), lambda i: (0, 0)),
            pl.BlockSpec((1, H), lambda i: (0, 0)),
            pl.BlockSpec((H, DO), lambda i: (0, 0)),
            pl.BlockSpec((1, DO), lambda i: (0, 0)),
        ],
        out_specs=pl.BlockSpec((BM, DO), lambda i: (i, 0)),
        out_shape=jax.ShapeDtypeStruct((N, DO), jnp.float32),
    )(x, p0, p1, w1t, b1, w2t, b2)


def kernel(x, edge_index, W1, b1, W2, b2):
    src = edge_index[0].astype(jnp.int32)
    dst = edge_index[1].astype(jnp.int32)
    pad = EP - E
    src_p = jnp.concatenate([src, jnp.zeros((pad,), jnp.int32)])
    dst_p = jnp.concatenate(
        [dst, N + (jnp.arange(pad, dtype=jnp.int32) % (R - N))])
    zeros = jnp.zeros((128, D), jnp.float32)
    parts = _sc_seg_sum(x, src_p.reshape(NW, CH, K), dst_p.reshape(NW, CH, K),
                        zeros)
    p0 = parts[0, :N]
    p1 = parts[1, :N]
    return _tc_mlp(x, p0, p1, W1.T, b1.reshape(1, H), W2.T, b2.reshape(1, DO))

# --- scband reference (transcript-rebuilt; emitter-appended) ---
"""Pipeline reference for scband-gcnlayer-9311489097971 (READ-ONLY COPY).

The authoritative reference and input builder live on the scoring server;
editing this copy changes nothing except your own understanding.
"""

import jax, jax.numpy as jnp
import numpy as np

N_NODES = 10000
N_EDGES = 320000
IN_FEATS = 128
HIDDEN_FEATS = 256
OUT_FEATS = 128


def setup_inputs(seed: int = 0) -> dict:
    key = jax.random.key(seed)
    k1, k2, k3, k4, k5, k6 = jax.random.split(key, 6)
    x = jax.random.normal(k1, (N_NODES, IN_FEATS), dtype=jnp.float32)
    edge_index = jax.random.randint(k2, (2, N_EDGES), 0, N_NODES, dtype=jnp.int64)
    # torch nn.Linear default init: U(-1/sqrt(fan_in), 1/sqrt(fan_in))
    bound1 = 1.0 / np.sqrt(IN_FEATS)
    W1 = jax.random.uniform(k3, (HIDDEN_FEATS, IN_FEATS), minval=-bound1, maxval=bound1, dtype=jnp.float32)
    b1 = jax.random.uniform(k4, (HIDDEN_FEATS,), minval=-bound1, maxval=bound1, dtype=jnp.float32)
    bound2 = 1.0 / np.sqrt(HIDDEN_FEATS)
    W2 = jax.random.uniform(k5, (OUT_FEATS, HIDDEN_FEATS), minval=-bound2, maxval=bound2, dtype=jnp.float32)
    b2 = jax.random.uniform(k6, (OUT_FEATS,), minval=-bound2, maxval=bound2, dtype=jnp.float32)
    return {"x": x, "edge_index": edge_index, "W1": W1, "b1": b1, "W2": W2, "b2": b2}


def reference(x, edge_index, W1, b1, W2, b2):
    src = edge_index[0]
    dst = edge_index[1]
    # gcn_msg: copy src 'feat' to mailbox; gcn_reduce: sum mailbox + own feat
    messages = jnp.take(x, src, axis=0)  # gather [E, d]
    agg = jax.ops.segment_sum(messages, dst, num_segments=N_NODES)  # scatter-add
    feat = agg + x
    # NodeApplyModule: linear1 -> activation(relu) -> linear2
    h = feat @ W1.T + b1
    h = jax.nn.relu(h)
    out = h @ W2.T + b2
    return out

if __name__ == "__main__":
    import jax
    _d = setup_inputs()
    print(jax.jit(kernel)(*tuple(_d.values())))

</pallas_src>

<mosaic_0001>
#map = affine_map<(d0, d1) -> (0, 0)>
#map1 = affine_map<(d0, d1) -> (0, 0, 0)>
module attributes {stable_mosaic.version = 14 : i64} {
  func.func @_sc_seg_sum(%arg0: i32, %arg1: i32, %arg2: memref<10000x128xf32, #tpu.memory_space<hbm>>, %arg3: memref<32x128x80xi32, #tpu.memory_space<hbm>>, %arg4: memref<32x128x80xi32, #tpu.memory_space<hbm>>, %arg5: memref<128x128xf32, #tpu.memory_space<hbm>>, %arg6: memref<2x10240x128xf32, #tpu.memory_space<hbm>>, %arg7: memref<80xi32, #tpu.memory_space<vmem>>, %arg8: memref<80xi32, #tpu.memory_space<vmem>>, %arg9: memref<80xi32, #tpu.memory_space<vmem>>, %arg10: memref<80xi32, #tpu.memory_space<vmem>>, %arg11: memref<80xi32, #tpu.memory_space<vmem>>, %arg12: memref<80xi32, #tpu.memory_space<vmem>>, %arg13: memref<80xi32, #tpu.memory_space<vmem>>, %arg14: memref<80xi32, #tpu.memory_space<vmem>>, %arg15: memref<80xi32, #tpu.memory_space<vmem>>, %arg16: memref<80xi32, #tpu.memory_space<vmem>>, %arg17: memref<80xi32, #tpu.memory_space<vmem>>, %arg18: memref<80xi32, #tpu.memory_space<vmem>>, %arg19: memref<80xi32, #tpu.memory_space<vmem>>, %arg20: memref<80xi32, #tpu.memory_space<vmem>>, %arg21: memref<80xi32, #tpu.memory_space<vmem>>, %arg22: memref<80xi32, #tpu.memory_space<vmem>>, %arg23: memref<80x128xf32, #tpu.memory_space<vmem>>, %arg24: memref<80x128xf32, #tpu.memory_space<vmem>>, %arg25: memref<80x128xf32, #tpu.memory_space<vmem>>, %arg26: memref<80x128xf32, #tpu.memory_space<vmem>>, %arg27: memref<10240x128xf32, #tpu.memory_space<vmem_shared>>, %arg28: memref<!tpu.dma_semaphore, #tpu.memory_space<semaphore_mem>>, %arg29: memref<!tpu.dma_semaphore, #tpu.memory_space<semaphore_mem>>, %arg30: memref<!tpu.dma_semaphore, #tpu.memory_space<semaphore_mem>>, %arg31: memref<!tpu.dma_semaphore, #tpu.memory_space<semaphore_mem>>, %arg32: memref<!tpu.dma_semaphore, #tpu.memory_space<semaphore_mem>>, %arg33: memref<!tpu.dma_semaphore, #tpu.memory_space<semaphore_mem>>, %arg34: memref<!tpu.dma_semaphore, #tpu.memory_space<semaphore_mem>>, %arg35: memref<!tpu.dma_semaphore, #tpu.memory_space<semaphore_mem>>, %arg36: memref<!tpu.dma_semaphore, #tpu.memory_space<semaphore_mem>>, %arg37: memref<!tpu.dma_semaphore, #tpu.memory_space<semaphore_mem>>, %arg38: memref<!tpu.dma_semaphore, #tpu.memory_space<semaphore_mem>>, %arg39: memref<!tpu.dma_semaphore, #tpu.memory_space<semaphore_mem>>, %arg40: memref<!tpu.dma_semaphore, #tpu.memory_space<semaphore_mem>>, %arg41: memref<!tpu.dma_semaphore, #tpu.memory_space<semaphore_mem>>, %arg42: memref<!tpu.dma_semaphore, #tpu.memory_space<semaphore_mem>>, %arg43: memref<!tpu.dma_semaphore, #tpu.memory_space<semaphore_mem>>) attributes {dimension_semantics = [#tpu.dimension_semantics<core_parallel>, #tpu.dimension_semantics<subcore_parallel>], iteration_bounds = array<i64: 2, 16>, scalar_prefetch = 0 : i64, scratch_operands = 37 : i64, tpu.core_type = #tpu.core_type<sc_vector_subcore>, window_params = [{transform_indices = #map}, {transform_indices = #map1}, {transform_indices = #map1}, {transform_indices = #map}, {transform_indices = #map1}]} {
    %mul3A = arith.constant 2 : i32
    %mul3A_0 = arith.muli %arg1, %mul3A : i32
    %add3A = arith.addi %mul3A_0, %arg0 : i32
    %mul3A_1 = arith.constant 640 : i32
    %mul3A_2 = arith.muli %arg1, %mul3A_1 : i32
    %add3A_3 = arith.constant 0 : i32
    %add3A_4 = arith.addi %mul3A_2, %add3A_3 : i32
    "tpu.region"() ({
      %run_scoped3A = tpu.sem_alloc : memref<!tpu.dma_semaphore, #tpu.memory_space<semaphore_mem>>
      %dma_start3A_125 = arith.constant 0 : i32
      %dma_start3A_126 = tpu.memref_slice %arg27[%add3A_4, %dma_start3A_125] : memref<10240x128xf32, #tpu.memory_space<vmem_shared>> -> memref<128x128xf32, #tpu.memory_space<vmem_shared>>
      tpu.enqueue_dma source(%arg5 : memref<128x128xf32, #tpu.memory_space<hbm>>) target(%dma_start3A_126 : memref<128x128xf32, #tpu.memory_space<vmem_shared>>) target_semaphore(%run_scoped3A : memref<!tpu.dma_semaphore, #tpu.memory_space<semaphore_mem>>)
      %dma_wait3A_127 = arith.constant 0 : i32
      %dma_wait3A_128 = tpu.memref_slice %arg27[%add3A_4, %dma_wait3A_127] : memref<10240x128xf32, #tpu.memory_space<vmem_shared>> -> memref<128x128xf32, #tpu.memory_space<vmem_shared>>
      tpu.wait_dma2 semaphore(%run_scoped3A : memref<!tpu.dma_semaphore, #tpu.memory_space<semaphore_mem>>) src(%arg5 : memref<128x128xf32, #tpu.memory_space<hbm>>) dst(%dma_wait3A_128 : memref<128x128xf32, #tpu.memory_space<vmem_shared>>)
      tpu.yield
    }) : () -> ()
    %mul3A_5 = arith.constant 640 : i32
    %mul3A_6 = arith.muli %arg1, %mul3A_5 : i32
    %add3A_7 = arith.constant 128 : i32
    %add3A_8 = arith.addi %mul3A_6, %add3A_7 : i32
    "tpu.region"() ({
      %run_scoped3A = tpu.sem_alloc : memref<!tpu.dma_semaphore, #tpu.memory_space<semaphore_mem>>
      %dma_start3A_125 = arith.constant 0 : i32
      %dma_start3A_126 = tpu.memref_slice %arg27[%add3A_8, %dma_start3A_125] : memref<10240x128xf32, #tpu.memory_space<vmem_shared>> -> memref<128x128xf32, #tpu.memory_space<vmem_shared>>
      tpu.enqueue_dma source(%arg5 : memref<128x128xf32, #tpu.memory_space<hbm>>) target(%dma_start3A_126 : memref<128x128xf32, #tpu.memory_space<vmem_shared>>) target_semaphore(%run_scoped3A : memref<!tpu.dma_semaphore, #tpu.memory_space<semaphore_mem>>)
      %dma_wait3A_127 = arith.constant 0 : i32
      %dma_wait3A_128 = tpu.memref_slice %arg27[%add3A_8, %dma_wait3A_127] : memref<10240x128xf32, #tpu.memory_space<vmem_shared>> -> memref<128x128xf32, #tpu.memory_space<vmem_shared>>
      tpu.wait_dma2 semaphore(%run_scoped3A : memref<!tpu.dma_semaphore, #tpu.memory_space<semaphore_mem>>) src(%arg5 : memref<128x128xf32, #tpu.memory_space<hbm>>) dst(%dma_wait3A_128 : memref<128x128xf32, #tpu.memory_space<vmem_shared>>)
      tpu.yield
    }) : () -> ()
    %mul3A_9 = arith.constant 640 : i32
    %mul3A_10 = arith.muli %arg1, %mul3A_9 : i32
    %add3A_11 = arith.constant 256 : i32
    %add3A_12 = arith.addi %mul3A_10, %add3A_11 : i32
    "tpu.region"() ({
      %run_scoped3A = tpu.sem_alloc : memref<!tpu.dma_semaphore, #tpu.memory_space<semaphore_mem>>
      %dma_start3A_125 = arith.constant 0 : i32
      %dma_start3A_126 = tpu.memref_slice %arg27[%add3A_12, %dma_start3A_125] : memref<10240x128xf32, #tpu.memory_space<vmem_shared>> -> memref<128x128xf32, #tpu.memory_space<vmem_shared>>
      tpu.enqueue_dma source(%arg5 : memref<128x128xf32, #tpu.memory_space<hbm>>) target(%dma_start3A_126 : memref<128x128xf32, #tpu.memory_space<vmem_shared>>) target_semaphore(%run_scoped3A : memref<!tpu.dma_semaphore, #tpu.memory_space<semaphore_mem>>)
      %dma_wait3A_127 = arith.constant 0 : i32
      %dma_wait3A_128 = tpu.memref_slice %arg27[%add3A_12, %dma_wait3A_127] : memref<10240x128xf32, #tpu.memory_space<vmem_shared>> -> memref<128x128xf32, #tpu.memory_space<vmem_shared>>
      tpu.wait_dma2 semaphore(%run_scoped3A : memref<!tpu.dma_semaphore, #tpu.memory_space<semaphore_mem>>) src(%arg5 : memref<128x128xf32, #tpu.memory_space<hbm>>) dst(%dma_wait3A_128 : memref<128x128xf32, #tpu.memory_space<vmem_shared>>)
      tpu.yield
    }) : () -> ()
    %mul3A_13 = arith.constant 640 : i32
    %mul3A_14 = arith.muli %arg1, %mul3A_13 : i32
    %add3A_15 = arith.constant 384 : i32
    %add3A_16 = arith.addi %mul3A_14, %add3A_15 : i32
    "tpu.region"() ({
      %run_scoped3A = tpu.sem_alloc : memref<!tpu.dma_semaphore, #tpu.memory_space<semaphore_mem>>
      %dma_start3A_125 = arith.constant 0 : i32
      %dma_start3A_126 = tpu.memref_slice %arg27[%add3A_16, %dma_start3A_125] : memref<10240x128xf32, #tpu.memory_space<vmem_shared>> -> memref<128x128xf32, #tpu.memory_space<vmem_shared>>
      tpu.enqueue_dma source(%arg5 : memref<128x128xf32, #tpu.memory_space<hbm>>) target(%dma_start3A_126 : memref<128x128xf32, #tpu.memory_space<vmem_shared>>) target_semaphore(%run_scoped3A : memref<!tpu.dma_semaphore, #tpu.memory_space<semaphore_mem>>)
      %dma_wait3A_127 = arith.constant 0 : i32
      %dma_wait3A_128 = tpu.memref_slice %arg27[%add3A_16, %dma_wait3A_127] : memref<10240x128xf32, #tpu.memory_space<vmem_shared>> -> memref<128x128xf32, #tpu.memory_space<vmem_shared>>
      tpu.wait_dma2 semaphore(%run_scoped3A : memref<!tpu.dma_semaphore, #tpu.memory_space<semaphore_mem>>) src(%arg5 : memref<128x128xf32, #tpu.memory_space<hbm>>) dst(%dma_wait3A_128 : memref<128x128xf32, #tpu.memory_space<vmem_shared>>)
      tpu.yield
    }) : () -> ()
    %mul3A_17 = arith.constant 640 : i32
    %mul3A_18 = arith.muli %arg1, %mul3A_17 : i32
    %add3A_19 = arith.constant 512 : i32
    %add3A_20 = arith.addi %mul3A_18, %add3A_19 : i32
    "tpu.region"() ({
      %run_scoped3A = tpu.sem_alloc : memref<!tpu.dma_semaphore, #tpu.memory_space<semaphore_mem>>
      %dma_start3A_125 = arith.constant 0 : i32
      %dma_start3A_126 = tpu.memref_slice %arg27[%add3A_20, %dma_start3A_125] : memref<10240x128xf32, #tpu.memory_space<vmem_shared>> -> memref<128x128xf32, #tpu.memory_space<vmem_shared>>
      tpu.enqueue_dma source(%arg5 : memref<128x128xf32, #tpu.memory_space<hbm>>) target(%dma_start3A_126 : memref<128x128xf32, #tpu.memory_space<vmem_shared>>) target_semaphore(%run_scoped3A : memref<!tpu.dma_semaphore, #tpu.memory_space<semaphore_mem>>)
      %dma_wait3A_127 = arith.constant 0 : i32
      %dma_wait3A_128 = tpu.memref_slice %arg27[%add3A_20, %dma_wait3A_127] : memref<10240x128xf32, #tpu.memory_space<vmem_shared>> -> memref<128x128xf32, #tpu.memory_space<vmem_shared>>
      tpu.wait_dma2 semaphore(%run_scoped3A : memref<!tpu.dma_semaphore, #tpu.memory_space<semaphore_mem>>) src(%arg5 : memref<128x128xf32, #tpu.memory_space<hbm>>) dst(%dma_wait3A_128 : memref<128x128xf32, #tpu.memory_space<vmem_shared>>)
      tpu.yield
    }) : () -> ()
    %barrier3A = arith.constant 0 : index
    tpu.barrier barrier_id(%barrier3A)
    %dma_start3A = arith.constant 0 : i32
    %dma_start3A_21 = arith.constant 0 : i32
    %dma_start3A_22 = tpu.memref_slice %arg3[%add3A, %dma_start3A, %dma_start3A_21] : memref<32x128x80xi32, #tpu.memory_space<hbm>> -> memref<1x1x80xi32, #tpu.memory_space<hbm>>
    %dma_start3A_23 = tpu.memref_squeeze %dma_start3A_22 : memref<1x1x80xi32, #tpu.memory_space<hbm>> -> memref<80xi32, #tpu.memory_space<hbm>>
    %dma_start3A_24 = arith.constant 0 : i32
    %dma_start3A_25 = tpu.memref_slice %arg3[%add3A, %dma_start3A, %dma_start3A_24] : memref<32x128x80xi32, #tpu.memory_space<hbm>> -> memref<1x1x80xi32, #tpu.memory_space<hbm>>
    %dma_start3A_26 = tpu.memref_squeeze %dma_start3A_25 : memref<1x1x80xi32, #tpu.memory_space<hbm>> -> memref<80xi32, #tpu.memory_space<hbm>>
    tpu.enqueue_dma source(%dma_start3A_26 : memref<80xi32, #tpu.memory_space<hbm>>) target(%arg7 : memref<80xi32, #tpu.memory_space<vmem>>) target_semaphore(%arg36 : memref<!tpu.dma_semaphore, #tpu.memory_space<semaphore_mem>>)
    %dma_start3A_27 = arith.constant 0 : i32
    %dma_start3A_28 = arith.constant 0 : i32
    %dma_start3A_29 = tpu.memref_slice %arg4[%add3A, %dma_start3A_27, %dma_start3A_28] : memref<32x128x80xi32, #tpu.memory_space<hbm>> -> memref<1x1x80xi32, #tpu.memory_space<hbm>>
    %dma_start3A_30 = tpu.memref_squeeze %dma_start3A_29 : memref<1x1x80xi32, #tpu.memory_space<hbm>> -> memref<80xi32, #tpu.memory_space<hbm>>
    %dma_start3A_31 = arith.constant 0 : i32
    %dma_start3A_32 = tpu.memref_slice %arg4[%add3A, %dma_start3A_27, %dma_start3A_31] : memref<32x128x80xi32, #tpu.memory_space<hbm>> -> memref<1x1x80xi32, #tpu.memory_space<hbm>>
    %dma_start3A_33 = tpu.memref_squeeze %dma_start3A_32 : memref<1x1x80xi32, #tpu.memory_space<hbm>> -> memref<80xi32, #tpu.memory_space<hbm>>
    tpu.enqueue_dma source(%dma_start3A_33 : memref<80xi32, #tpu.memory_space<hbm>>) target(%arg15 : memref<80xi32, #tpu.memory_space<vmem>>) target_semaphore(%arg36 : memref<!tpu.dma_semaphore, #tpu.memory_space<semaphore_mem>>)
    %dma_start3A_34 = arith.constant 1 : i32
    %dma_start3A_35 = arith.constant 0 : i32
    %dma_start3A_36 = tpu.memref_slice %arg3[%add3A, %dma_start3A_34, %dma_start3A_35] : memref<32x128x80xi32, #tpu.memory_space<hbm>> -> memref<1x1x80xi32, #tpu.memory_space<hbm>>
    %dma_start3A_37 = tpu.memref_squeeze %dma_start3A_36 : memref<1x1x80xi32, #tpu.memory_space<hbm>> -> memref<80xi32, #tpu.memory_space<hbm>>
    %dma_start3A_38 = arith.constant 0 : i32
    %dma_start3A_39 = tpu.memref_slice %arg3[%add3A, %dma_start3A_34, %dma_start3A_38] : memref<32x128x80xi32, #tpu.memory_space<hbm>> -> memref<1x1x80xi32, #tpu.memory_space<hbm>>
    %dma_start3A_40 = tpu.memref_squeeze %dma_start3A_39 : memref<1x1x80xi32, #tpu.memory_space<hbm>> -> memref<80xi32, #tpu.memory_space<hbm>>
    tpu.enqueue_dma source(%dma_start3A_40 : memref<80xi32, #tpu.memory_space<hbm>>) target(%arg8 : memref<80xi32, #tpu.memory_space<vmem>>) target_semaphore(%arg37 : memref<!tpu.dma_semaphore, #tpu.memory_space<semaphore_mem>>)
    %dma_start3A_41 = arith.constant 1 : i32
    %dma_start3A_42 = arith.constant 0 : i32
    %dma_start3A_43 = tpu.memref_slice %arg4[%add3A, %dma_start3A_41, %dma_start3A_42] : memref<32x128x80xi32, #tpu.memory_space<hbm>> -> memref<1x1x80xi32, #tpu.memory_space<hbm>>
    %dma_start3A_44 = tpu.memref_squeeze %dma_start3A_43 : memref<1x1x80xi32, #tpu.memory_space<hbm>> -> memref<80xi32, #tpu.memory_space<hbm>>
    %dma_start3A_45 = arith.constant 0 : i32
    %dma_start3A_46 = tpu.memref_slice %arg4[%add3A, %dma_start3A_41, %dma_start3A_45] : memref<32x128x80xi32, #tpu.memory_space<hbm>> -> memref<1x1x80xi32, #tpu.memory_space<hbm>>
    %dma_start3A_47 = tpu.memref_squeeze %dma_start3A_46 : memref<1x1x80xi32, #tpu.memory_space<hbm>> -> memref<80xi32, #tpu.memory_space<hbm>>
    tpu.enqueue_dma source(%dma_start3A_47 : memref<80xi32, #tpu.memory_space<hbm>>) target(%arg16 : memref<80xi32, #tpu.memory_space<vmem>>) target_semaphore(%arg37 : memref<!tpu.dma_semaphore, #tpu.memory_space<semaphore_mem>>)
    %dma_start3A_48 = arith.constant 2 : i32
    %dma_start3A_49 = arith.constant 0 : i32
    %dma_start3A_50 = tpu.memref_slice %arg3[%add3A, %dma_start3A_48, %dma_start3A_49] : memref<32x128x80xi32, #tpu.memory_space<hbm>> -> memref<1x1x80xi32, #tpu.memory_space<hbm>>
    %dma_start3A_51 = tpu.memref_squeeze %dma_start3A_50 : memref<1x1x80xi32, #tpu.memory_space<hbm>> -> memref<80xi32, #tpu.memory_space<hbm>>
    %dma_start3A_52 = arith.constant 0 : i32
    %dma_start3A_53 = tpu.memref_slice %arg3[%add3A, %dma_start3A_48, %dma_start3A_52] : memref<32x128x80xi32, #tpu.memory_space<hbm>> -> memref<1x1x80xi32, #tpu.memory_space<hbm>>
    %dma_start3A_54 = tpu.memref_squeeze %dma_start3A_53 : memref<1x1x80xi32, #tpu.memory_space<hbm>> -> memref<80xi32, #tpu.memory_space<hbm>>
    tpu.enqueue_dma source(%dma_start3A_54 : memref<80xi32, #tpu.memory_space<hbm>>) target(%arg9 : memref<80xi32, #tpu.memory_space<vmem>>) target_semaphore(%arg38 : memref<!tpu.dma_semaphore, #tpu.memory_space<semaphore_mem>>)
    %dma_start3A_55 = arith.constant 2 : i32
    %dma_start3A_56 = arith.constant 0 : i32
    %dma_start3A_57 = tpu.memref_slice %arg4[%add3A, %dma_start3A_55, %dma_start3A_56] : memref<32x128x80xi32, #tpu.memory_space<hbm>> -> memref<1x1x80xi32, #tpu.memory_space<hbm>>
    %dma_start3A_58 = tpu.memref_squeeze %dma_start3A_57 : memref<1x1x80xi32, #tpu.memory_space<hbm>> -> memref<80xi32, #tpu.memory_space<hbm>>
    %dma_start3A_59 = arith.constant 0 : i32
    %dma_start3A_60 = tpu.memref_slice %arg4[%add3A, %dma_start3A_55, %dma_start3A_59] : memref<32x128x80xi32, #tpu.memory_space<hbm>> -> memref<1x1x80xi32, #tpu.memory_space<hbm>>
    %dma_start3A_61 = tpu.memref_squeeze %dma_start3A_60 : memref<1x1x80xi32, #tpu.memory_space<hbm>> -> memref<80xi32, #tpu.memory_space<hbm>>
    tpu.enqueue_dma source(%dma_start3A_61 : memref<80xi32, #tpu.memory_space<hbm>>) target(%arg17 : memref<80xi32, #tpu.memory_space<vmem>>) target_semaphore(%arg38 : memref<!tpu.dma_semaphore, #tpu.memory_space<semaphore_mem>>)
    %dma_start3A_62 = arith.constant 3 : i32
    %dma_start3A_63 = arith.constant 0 : i32
    %dma_start3A_64 = tpu.memref_slice %arg3[%add3A, %dma_start3A_62, %dma_start3A_63] : memref<32x128x80xi32, #tpu.memory_space<hbm>> -> memref<1x1x80xi32, #tpu.memory_space<hbm>>
    %dma_start3A_65 = tpu.memref_squeeze %dma_start3A_64 : memref<1x1x80xi32, #tpu.memory_space<hbm>> -> memref<80xi32, #tpu.memory_space<hbm>>
    %dma_start3A_66 = arith.constant 0 : i32
    %dma_start3A_67 = tpu.memref_slice %arg3[%add3A, %dma_start3A_62, %dma_start3A_66] : memref<32x128x80xi32, #tpu.memory_space<hbm>> -> memref<1x1x80xi32, #tpu.memory_space<hbm>>
    %dma_start3A_68 = tpu.memref_squeeze %dma_start3A_67 : memref<1x1x80xi32, #tpu.memory_space<hbm>> -> memref<80xi32, #tpu.memory_space<hbm>>
    tpu.enqueue_dma source(%dma_start3A_68 : memref<80xi32, #tpu.memory_space<hbm>>) target(%arg10 : memref<80xi32, #tpu.memory_space<vmem>>) target_semaphore(%arg39 : memref<!tpu.dma_semaphore, #tpu.memory_space<semaphore_mem>>)
    %dma_start3A_69 = arith.constant 3 : i32
    %dma_start3A_70 = arith.constant 0 : i32
    %dma_start3A_71 = tpu.memref_slice %arg4[%add3A, %dma_start3A_69, %dma_start3A_70] : memref<32x128x80xi32, #tpu.memory_space<hbm>> -> memref<1x1x80xi32, #tpu.memory_space<hbm>>
    %dma_start3A_72 = tpu.memref_squeeze %dma_start3A_71 : memref<1x1x80xi32, #tpu.memory_space<hbm>> -> memref<80xi32, #tpu.memory_space<hbm>>
    %dma_start3A_73 = arith.constant 0 : i32
    %dma_start3A_74 = tpu.memref_slice %arg4[%add3A, %dma_start3A_69, %dma_start3A_73] : memref<32x128x80xi32, #tpu.memory_space<hbm>> -> memref<1x1x80xi32, #tpu.memory_space<hbm>>
    %dma_start3A_75 = tpu.memref_squeeze %dma_start3A_74 : memref<1x1x80xi32, #tpu.memory_space<hbm>> -> memref<80xi32, #tpu.memory_space<hbm>>
    tpu.enqueue_dma source(%dma_start3A_75 : memref<80xi32, #tpu.memory_space<hbm>>) target(%arg18 : memref<80xi32, #tpu.memory_space<vmem>>) target_semaphore(%arg39 : memref<!tpu.dma_semaphore, #tpu.memory_space<semaphore_mem>>)
    %dma_wait3A = arith.constant 0 : i32
    %dma_wait3A_76 = arith.constant 0 : i32
    %dma_wait3A_77 = tpu.memref_slice %arg3[%add3A, %dma_wait3A, %dma_wait3A_76] : memref<32x128x80xi32, #tpu.memory_space<hbm>> -> memref<1x1x80xi32, #tpu.memory_space<hbm>>
    %dma_wait3A_78 = tpu.memref_squeeze %dma_wait3A_77 : memref<1x1x80xi32, #tpu.memory_space<hbm>> -> memref<80xi32, #tpu.memory_space<hbm>>
    %dma_wait3A_79 = arith.constant 0 : i32
    %dma_wait3A_80 = tpu.memref_slice %arg3[%add3A, %dma_wait3A, %dma_wait3A_79] : memref<32x128x80xi32, #tpu.memory_space<hbm>> -> memref<1x1x80xi32, #tpu.memory_space<hbm>>
    %dma_wait3A_81 = tpu.memref_squeeze %dma_wait3A_80 : memref<1x1x80xi32, #tpu.memory_space<hbm>> -> memref<80xi32, #tpu.memory_space<hbm>>
    tpu.wait_dma2 semaphore(%arg36 : memref<!tpu.dma_semaphore, #tpu.memory_space<semaphore_mem>>) src(%dma_wait3A_81 : memref<80xi32, #tpu.memory_space<hbm>>) dst(%arg7 : memref<80xi32, #tpu.memory_space<vmem>>)
    %dma_wait3A_82 = arith.constant 0 : i32
    %dma_wait3A_83 = arith.constant 0 : i32
    %dma_wait3A_84 = tpu.memref_slice %arg4[%add3A, %dma_wait3A_82, %dma_wait3A_83] : memref<32x128x80xi32, #tpu.memory_space<hbm>> -> memref<1x1x80xi32, #tpu.memory_space<hbm>>
    %dma_wait3A_85 = tpu.memref_squeeze %dma_wait3A_84 : memref<1x1x80xi32, #tpu.memory_space<hbm>> -> memref<80xi32, #tpu.memory_space<hbm>>
    %dma_wait3A_86 = arith.constant 0 : i32
    %dma_wait3A_87 = tpu.memref_slice %arg4[%add3A, %dma_wait3A_82, %dma_wait3A_86] : memref<32x128x80xi32, #tpu.memory_space<hbm>> -> memref<1x1x80xi32, #tpu.memory_space<hbm>>
    %dma_wait3A_88 = tpu.memref_squeeze %dma_wait3A_87 : memref<1x1x80xi32, #tpu.memory_space<hbm>> -> memref<80xi32, #tpu.memory_space<hbm>>
    tpu.wait_dma2 semaphore(%arg36 : memref<!tpu.dma_semaphore, #tpu.memory_space<semaphore_mem>>) src(%dma_wait3A_88 : memref<80xi32, #tpu.memory_space<hbm>>) dst(%arg15 : memref<80xi32, #tpu.memory_space<vmem>>)
    %dma_start3A_89 = arith.constant 0 : i32
    %dma_start3A_90 = arith.constant 0 : i32
    %dma_start3A_91 = tpu.memref_slice %arg2[%dma_start3A_89, %dma_start3A_90] : memref<10000x128xf32, #tpu.memory_space<hbm>> -> memref<10000x128xf32, #tpu.memory_space<hbm>>
    tpu.enqueue_indirect_dma source(%dma_start3A_91 : memref<10000x128xf32, #tpu.memory_space<hbm>>) target(%arg23 : memref<80x128xf32, #tpu.memory_space<vmem>>) offsets(%arg7 : memref<80xi32, #tpu.memory_space<vmem>>) semaphore(%arg28 : memref<!tpu.dma_semaphore, #tpu.memory_space<semaphore_mem>>)
    %dma_wait3A_92 = arith.constant 1 : i32
    %dma_wait3A_93 = arith.constant 0 : i32
    %dma_wait3A_94 = tpu.memref_slice %arg3[%add3A, %dma_wait3A_92, %dma_wait3A_93] : memref<32x128x80xi32, #tpu.memory_space<hbm>> -> memref<1x1x80xi32, #tpu.memory_space<hbm>>
    %dma_wait3A_95 = tpu.memref_squeeze %dma_wait3A_94 : memref<1x1x80xi32, #tpu.memory_space<hbm>> -> memref<80xi32, #tpu.memory_space<hbm>>
    %dma_wait3A_96 = arith.constant 0 : i32
    %dma_wait3A_97 = tpu.memref_slice %arg3[%add3A, %dma_wait3A_92, %dma_wait3A_96] : memref<32x128x80xi32, #tpu.memory_space<hbm>> -> memref<1x1x80xi32, #tpu.memory_space<hbm>>
    %dma_wait3A_98 = tpu.memref_squeeze %dma_wait3A_97 : memref<1x1x80xi32, #tpu.memory_space<hbm>> -> memref<80xi32, #tpu.memory_space<hbm>>
    tpu.wait_dma2 semaphore(%arg37 : memref<!tpu.dma_semaphore, #tpu.memory_space<semaphore_mem>>) src(%dma_wait3A_98 : memref<80xi32, #tpu.memory_space<hbm>>) dst(%arg8 : memref<80xi32, #tpu.memory_space<vmem>>)
    %dma_wait3A_99 = arith.constant 1 : i32
    %dma_wait3A_100 = arith.constant 0 : i32
    %dma_wait3A_101 = tpu.memref_slice %arg4[%add3A, %dma_wait3A_99, %dma_wait3A_100] : memref<32x128x80xi32, #tpu.memory_space<hbm>> -> memref<1x1x80xi32, #tpu.memory_space<hbm>>
    %dma_wait3A_102 = tpu.memref_squeeze %dma_wait3A_101 : memref<1x1x80xi32, #tpu.memory_space<hbm>> -> memref<80xi32, #tpu.memory_space<hbm>>
    %dma_wait3A_103 = arith.constant 0 : i32
    %dma_wait3A_104 = tpu.memref_slice %arg4[%add3A, %dma_wait3A_99, %dma_wait3A_103] : memref<32x128x80xi32, #tpu.memory_space<hbm>> -> memref<1x1x80xi32, #tpu.memory_space<hbm>>
    %dma_wait3A_105 = tpu.memref_squeeze %dma_wait3A_104 : memref<1x1x80xi32, #tpu.memory_space<hbm>> -> memref<80xi32, #tpu.memory_space<hbm>>
    tpu.wait_dma2 semaphore(%arg37 : memref<!tpu.dma_semaphore, #tpu.memory_space<semaphore_mem>>) src(%dma_wait3A_105 : memref<80xi32, #tpu.memory_space<hbm>>) dst(%arg16 : memref<80xi32, #tpu.memory_space<vmem>>)
    %dma_start3A_106 = arith.constant 0 : i32
    %dma_start3A_107 = arith.constant 0 : i32
    %dma_start3A_108 = tpu.memref_slice %arg2[%dma_start3A_106, %dma_start3A_107] : memref<10000x128xf32, #tpu.memory_space<hbm>> -> memref<10000x128xf32, #tpu.memory_space<hbm>>
    tpu.enqueue_indirect_dma source(%dma_start3A_108 : memref<10000x128xf32, #tpu.memory_space<hbm>>) target(%arg24 : memref<80x128xf32, #tpu.memory_space<vmem>>) offsets(%arg8 : memref<80xi32, #tpu.memory_space<vmem>>) semaphore(%arg29 : memref<!tpu.dma_semaphore, #tpu.memory_space<semaphore_mem>>)
    %scan3A = arith.constant 0 : i32
    %scan3A_109 = arith.constant 0 : i32
    %scan3A_110 = arith.constant 16 : i32
    %scan3A_111 = arith.addi %scan3A_109, %scan3A_110 : i32
    %scan3A_112 = arith.constant 1 : i32
    scf.for %scan3A_125 = %scan3A_109 to %scan3A_111 step %scan3A_112  : i32 {
      %mul3A_126 = arith.constant 8 : i32
      %mul3A_127 = arith.muli %mul3A_126, %scan3A_125 : i32
      %add3A_128 = arith.constant 0 : i32
      %add3A_129 = arith.addi %mul3A_127, %add3A_128 : i32
      %gt3A = arith.constant 0 : i32
      %gt3A_130 = arith.cmpi sgt, %scan3A_125, %gt3A : i32
      %convert_element_type3A = arith.extui %gt3A_130 : i1 to i32
      %cond3A = arith.constant 0 : i32
      %cond3A_131 = arith.cmpi ne, %convert_element_type3A, %cond3A : i32
      scf.if %cond3A_131 {
        %dma_wait3A_438 = arith.constant 0 : i32
        %dma_wait3A_439 = arith.constant 0 : i32
        %dma_wait3A_440 = tpu.memref_slice %arg27[%dma_wait3A_438, %dma_wait3A_439] : memref<10240x128xf32, #tpu.memory_space<vmem_shared>> -> memref<10240x128xf32, #tpu.memory_space<vmem_shared>>
        tpu.wait_indirect_dma semaphore(%arg34 : memref<!tpu.dma_semaphore, #tpu.memory_space<semaphore_mem>>) src(%arg25 : memref<80x128xf32, #tpu.memory_space<vmem>>) dst(%dma_wait3A_440 : memref<10240x128xf32, #tpu.memory_space<vmem_shared>>)
      } else {
      }
      %add3A_132 = arith.constant 2 : i32
      %add3A_133 = arith.addi %add3A_129, %add3A_132 : i32
      %dma_wait3A_134 = arith.constant 0 : i32
      %dma_wait3A_135 = tpu.memref_slice %arg3[%add3A, %add3A_133, %dma_wait3A_134] : memref<32x128x80xi32, #tpu.memory_space<hbm>> -> memref<1x1x80xi32, #tpu.memory_space<hbm>>
      %dma_wait3A_136 = tpu.memref_squeeze %dma_wait3A_135 : memref<1x1x80xi32, #tpu.memory_space<hbm>> -> memref<80xi32, #tpu.memory_space<hbm>>
      %dma_wait3A_137 = arith.constant 0 : i32
      %dma_wait3A_138 = tpu.memref_slice %arg3[%add3A, %add3A_133, %dma_wait3A_137] : memref<32x128x80xi32, #tpu.memory_space<hbm>> -> memref<1x1x80xi32, #tpu.memory_space<hbm>>
      %dma_wait3A_139 = tpu.memref_squeeze %dma_wait3A_138 : memref<1x1x80xi32, #tpu.memory_space<hbm>> -> memref<80xi32, #tpu.memory_space<hbm>>
      tpu.wait_dma2 semaphore(%arg38 : memref<!tpu.dma_semaphore, #tpu.memory_space<semaphore_mem>>) src(%dma_wait3A_139 : memref<80xi32, #tpu.memory_space<hbm>>) dst(%arg9 : memref<80xi32, #tpu.memory_space<vmem>>)
      %add3A_140 = arith.constant 2 : i32
      %add3A_141 = arith.addi %add3A_129, %add3A_140 : i32
      %dma_wait3A_142 = arith.constant 0 : i32
      %dma_wait3A_143 = tpu.memref_slice %arg4[%add3A, %add3A_141, %dma_wait3A_142] : memref<32x128x80xi32, #tpu.memory_space<hbm>> -> memref<1x1x80xi32, #tpu.memory_space<hbm>>
      %dma_wait3A_144 = tpu.memref_squeeze %dma_wait3A_143 : memref<1x1x80xi32, #tpu.memory_space<hbm>> -> memref<80xi32, #tpu.memory_space<hbm>>
      %dma_wait3A_145 = arith.constant 0 : i32
      %dma_wait3A_146 = tpu.memref_slice %arg4[%add3A, %add3A_141, %dma_wait3A_145] : memref<32x128x80xi32, #tpu.memory_space<hbm>> -> memref<1x1x80xi32, #tpu.memory_space<hbm>>
      %dma_wait3A_147 = tpu.memref_squeeze %dma_wait3A_146 : memref<1x1x80xi32, #tpu.memory_space<hbm>> -> memref<80xi32, #tpu.memory_space<hbm>>
      tpu.wait_dma2 semaphore(%arg38 : memref<!tpu.dma_semaphore, #tpu.memory_space<semaphore_mem>>) src(%dma_wait3A_147 : memref<80xi32, #tpu.memory_space<hbm>>) dst(%arg17 : memref<80xi32, #tpu.memory_space<vmem>>)
      %dma_start3A_148 = arith.constant 0 : i32
      %dma_start3A_149 = arith.constant 0 : i32
      %dma_start3A_150 = tpu.memref_slice %arg2[%dma_start3A_148, %dma_start3A_149] : memref<10000x128xf32, #tpu.memory_space<hbm>> -> memref<10000x128xf32, #tpu.memory_space<hbm>>
      tpu.enqueue_indirect_dma source(%dma_start3A_150 : memref<10000x128xf32, #tpu.memory_space<hbm>>) target(%arg25 : memref<80x128xf32, #tpu.memory_space<vmem>>) offsets(%arg9 : memref<80xi32, #tpu.memory_space<vmem>>) semaphore(%arg30 : memref<!tpu.dma_semaphore, #tpu.memory_space<semaphore_mem>>)
      %dma_wait3A_151 = arith.constant 0 : i32
      %dma_wait3A_152 = arith.constant 0 : i32
      %dma_wait3A_153 = tpu.memref_slice %arg2[%dma_wait3A_151, %dma_wait3A_152] : memref<10000x128xf32, #tpu.memory_space<hbm>> -> memref<10000x128xf32, #tpu.memory_space<hbm>>
      tpu.wait_indirect_dma semaphore(%arg28 : memref<!tpu.dma_semaphore, #tpu.memory_space<semaphore_mem>>) src(%dma_wait3A_153 : memref<10000x128xf32, #tpu.memory_space<hbm>>) dst(%arg23 : memref<80x128xf32, #tpu.memory_space<vmem>>)
      %dma_start3A_154 = arith.constant 0 : i32
      %dma_start3A_155 = arith.constant 0 : i32
      %dma_start3A_156 = tpu.memref_slice %arg27[%dma_start3A_154, %dma_start3A_155] : memref<10240x128xf32, #tpu.memory_space<vmem_shared>> -> memref<10240x128xf32, #tpu.memory_space<vmem_shared>>
      tpu.enqueue_indirect_dma source(%arg23 : memref<80x128xf32, #tpu.memory_space<vmem>>) target(%dma_start3A_156 : memref<10240x128xf32, #tpu.memory_space<vmem_shared>>) offsets(%arg15 : memref<80xi32, #tpu.memory_space<vmem>>) semaphore(%arg32 : memref<!tpu.dma_semaphore, #tpu.memory_space<semaphore_mem>>) {add = true}
      %add3A_157 = arith.constant 4 : i32
      %add3A_158 = arith.addi %add3A_129, %add3A_157 : i32
      %dma_start3A_159 = arith.constant 0 : i32
      %dma_start3A_160 = tpu.memref_slice %arg3[%add3A, %add3A_158, %dma_start3A_159] : memref<32x128x80xi32, #tpu.memory_space<hbm>> -> memref<1x1x80xi32, #tpu.memory_space<hbm>>
      %dma_start3A_161 = tpu.memref_squeeze %dma_start3A_160 : memref<1x1x80xi32, #tpu.memory_space<hbm>> -> memref<80xi32, #tpu.memory_space<hbm>>
      %dma_start3A_162 = arith.constant 0 : i32
      %dma_start3A_163 = tpu.memref_slice %arg3[%add3A, %add3A_158, %dma_start3A_162] : memref<32x128x80xi32, #tpu.memory_space<hbm>> -> memref<1x1x80xi32, #tpu.memory_space<hbm>>
      %dma_start3A_164 = tpu.memref_squeeze %dma_start3A_163 : memref<1x1x80xi32, #tpu.memory_space<hbm>> -> memref<80xi32, #tpu.memory_space<hbm>>
      tpu.enqueue_dma source(%dma_start3A_164 : memref<80xi32, #tpu.memory_space<hbm>>) target(%arg11 : memref<80xi32, #tpu.memory_space<vmem>>) target_semaphore(%arg40 : memref<!tpu.dma_semaphore, #tpu.memory_space<semaphore_mem>>)
      %add3A_165 = arith.constant 4 : i32
      %add3A_166 = arith.addi %add3A_129, %add3A_165 : i32
      %dma_start3A_167 = arith.constant 0 : i32
      %dma_start3A_168 = tpu.memref_slice %arg4[%add3A, %add3A_166, %dma_start3A_167] : memref<32x128x80xi32, #tpu.memory_space<hbm>> -> memref<1x1x80xi32, #tpu.memory_space<hbm>>
      %dma_start3A_169 = tpu.memref_squeeze %dma_start3A_168 : memref<1x1x80xi32, #tpu.memory_space<hbm>> -> memref<80xi32, #tpu.memory_space<hbm>>
      %dma_start3A_170 = arith.constant 0 : i32
      %dma_start3A_171 = tpu.memref_slice %arg4[%add3A, %add3A_166, %dma_start3A_170] : memref<32x128x80xi32, #tpu.memory_space<hbm>> -> memref<1x1x80xi32, #tpu.memory_space<hbm>>
      %dma_start3A_172 = tpu.memref_squeeze %dma_start3A_171 : memref<1x1x80xi32, #tpu.memory_space<hbm>> -> memref<80xi32, #tpu.memory_space<hbm>>
      tpu.enqueue_dma source(%dma_start3A_172 : memref<80xi32, #tpu.memory_space<hbm>>) target(%arg19 : memref<80xi32, #tpu.memory_space<vmem>>) target_semaphore(%arg40 : memref<!tpu.dma_semaphore, #tpu.memory_space<semaphore_mem>>)
      %mul3A_173 = arith.constant 8 : i32
      %mul3A_174 = arith.muli %mul3A_173, %scan3A_125 : i32
      %add3A_175 = arith.constant 1 : i32
      %add3A_176 = arith.addi %mul3A_174, %add3A_175 : i32
      %gt3A_177 = arith.constant 0 : i32
      %gt3A_178 = arith.cmpi sgt, %scan3A_125, %gt3A_177 : i32
      %convert_element_type3A_179 = arith.extui %gt3A_178 : i1 to i32
      %cond3A_180 = arith.constant 0 : i32
      %cond3A_181 = arith.cmpi ne, %convert_element_type3A_179, %cond3A_180 : i32
      scf.if %cond3A_181 {
        %dma_wait3A_438 = arith.constant 0 : i32
        %dma_wait3A_439 = arith.constant 0 : i32
        %dma_wait3A_440 = tpu.memref_slice %arg27[%dma_wait3A_438, %dma_wait3A_439] : memref<10240x128xf32, #tpu.memory_space<vmem_shared>> -> memref<10240x128xf32, #tpu.memory_space<vmem_shared>>
        tpu.wait_indirect_dma semaphore(%arg35 : memref<!tpu.dma_semaphore, #tpu.memory_space<semaphore_mem>>) src(%arg26 : memref<80x128xf32, #tpu.memory_space<vmem>>) dst(%dma_wait3A_440 : memref<10240x128xf32, #tpu.memory_space<vmem_shared>>)
      } else {
      }
      %add3A_182 = arith.constant 2 : i32
      %add3A_183 = arith.addi %add3A_176, %add3A_182 : i32
      %dma_wait3A_184 = arith.constant 0 : i32
      %dma_wait3A_185 = tpu.memref_slice %arg3[%add3A, %add3A_183, %dma_wait3A_184] : memref<32x128x80xi32, #tpu.memory_space<hbm>> -> memref<1x1x80xi32, #tpu.memory_space<hbm>>
      %dma_wait3A_186 = tpu.memref_squeeze %dma_wait3A_185 : memref<1x1x80xi32, #tpu.memory_space<hbm>> -> memref<80xi32, #tpu.memory_space<hbm>>
      %dma_wait3A_187 = arith.constant 0 : i32
      %dma_wait3A_188 = tpu.memref_slice %arg3[%add3A, %add3A_183, %dma_wait3A_187] : memref<32x128x80xi32, #tpu.memory_space<hbm>> -> memref<1x1x80xi32, #tpu.memory_space<hbm>>
      %dma_wait3A_189 = tpu.memref_squeeze %dma_wait3A_188 : memref<1x1x80xi32, #tpu.memory_space<hbm>> -> memref<80xi32, #tpu.memory_space<hbm>>
      tpu.wait_dma2 semaphore(%arg39 : memref<!tpu.dma_semaphore, #tpu.memory_space<semaphore_mem>>) src(%dma_wait3A_189 : memref<80xi32, #tpu.memory_space<hbm>>) dst(%arg10 : memref<80xi32, #tpu.memory_space<vmem>>)
      %add3A_190 = arith.constant 2 : i32
      %add3A_191 = arith.addi %add3A_176, %add3A_190 : i32
      %dma_wait3A_192 = arith.constant 0 : i32
      %dma_wait3A_193 = tpu.memref_slice %arg4[%add3A, %add3A_191, %dma_wait3A_192] : memref<32x128x80xi32, #tpu.memory_space<hbm>> -> memref<1x1x80xi32, #tpu.memory_space<hbm>>
      %dma_wait3A_194 = tpu.memref_squeeze %dma_wait3A_193 : memref<1x1x80xi32, #tpu.memory_space<hbm>> -> memref<80xi32, #tpu.memory_space<hbm>>
      %dma_wait3A_195 = arith.constant 0 : i32
      %dma_wait3A_196 = tpu.memref_slice %arg4[%add3A, %add3A_191, %dma_wait3A_195] : memref<32x128x80xi32, #tpu.memory_space<hbm>> -> memref<1x1x80xi32, #tpu.memory_space<hbm>>
      %dma_wait3A_197 = tpu.memref_squeeze %dma_wait3A_196 : memref<1x1x80xi32, #tpu.memory_space<hbm>> -> memref<80xi32, #tpu.memory_space<hbm>>
      tpu.wait_dma2 semaphore(%arg39 : memref<!tpu.dma_semaphore, #tpu.memory_space<semaphore_mem>>) src(%dma_wait3A_197 : memref<80xi32, #tpu.memory_space<hbm>>) dst(%arg18 : memref<80xi32, #tpu.memory_space<vmem>>)
      %dma_start3A_198 = arith.constant 0 : i32
      %dma_start3A_199 = arith.constant 0 : i32
      %dma_start3A_200 = tpu.memref_slice %arg2[%dma_start3A_198, %dma_start3A_199] : memref<10000x128xf32, #tpu.memory_space<hbm>> -> memref<10000x128xf32, #tpu.memory_space<hbm>>
      tpu.enqueue_indirect_dma source(%dma_start3A_200 : memref<10000x128xf32, #tpu.memory_space<hbm>>) target(%arg26 : memref<80x128xf32, #tpu.memory_space<vmem>>) offsets(%arg10 : memref<80xi32, #tpu.memory_space<vmem>>) semaphore(%arg31 : memref<!tpu.dma_semaphore, #tpu.memory_space<semaphore_mem>>)
      %dma_wait3A_201 = arith.constant 0 : i32
      %dma_wait3A_202 = arith.constant 0 : i32
      %dma_wait3A_203 = tpu.memref_slice %arg2[%dma_wait3A_201, %dma_wait3A_202] : memref<10000x128xf32, #tpu.memory_space<hbm>> -> memref<10000x128xf32, #tpu.memory_space<hbm>>
      tpu.wait_indirect_dma semaphore(%arg29 : memref<!tpu.dma_semaphore, #tpu.memory_space<semaphore_mem>>) src(%dma_wait3A_203 : memref<10000x128xf32, #tpu.memory_space<hbm>>) dst(%arg24 : memref<80x128xf32, #tpu.memory_space<vmem>>)
      %dma_start3A_204 = arith.constant 0 : i32
      %dma_start3A_205 = arith.constant 0 : i32
      %dma_start3A_206 = tpu.memref_slice %arg27[%dma_start3A_204, %dma_start3A_205] : memref<10240x128xf32, #tpu.memory_space<vmem_shared>> -> memref<10240x128xf32, #tpu.memory_space<vmem_shared>>
      tpu.enqueue_indirect_dma source(%arg24 : memref<80x128xf32, #tpu.memory_space<vmem>>) target(%dma_start3A_206 : memref<10240x128xf32, #tpu.memory_space<vmem_shared>>) offsets(%arg16 : memref<80xi32, #tpu.memory_space<vmem>>) semaphore(%arg33 : memref<!tpu.dma_semaphore, #tpu.memory_space<semaphore_mem>>) {add = true}
      %add3A_207 = arith.constant 4 : i32
      %add3A_208 = arith.addi %add3A_176, %add3A_207 : i32
      %dma_start3A_209 = arith.constant 0 : i32
      %dma_start3A_210 = tpu.memref_slice %arg3[%add3A, %add3A_208, %dma_start3A_209] : memref<32x128x80xi32, #tpu.memory_space<hbm>> -> memref<1x1x80xi32, #tpu.memory_space<hbm>>
      %dma_start3A_211 = tpu.memref_squeeze %dma_start3A_210 : memref<1x1x80xi32, #tpu.memory_space<hbm>> -> memref<80xi32, #tpu.memory_space<hbm>>
      %dma_start3A_212 = arith.constant 0 : i32
      %dma_start3A_213 = tpu.memref_slice %arg3[%add3A, %add3A_208, %dma_start3A_212] : memref<32x128x80xi32, #tpu.memory_space<hbm>> -> memref<1x1x80xi32, #tpu.memory_space<hbm>>
      %dma_start3A_214 = tpu.memref_squeeze %dma_start3A_213 : memref<1x1x80xi32, #tpu.memory_space<hbm>> -> memref<80xi32, #tpu.memory_space<hbm>>
      tpu.enqueue_dma source(%dma_start3A_214 : memref<80xi32, #tpu.memory_space<hbm>>) target(%arg12 : memref<80xi32, #tpu.memory_space<vmem>>) target_semaphore(%arg41 : memref<!tpu.dma_semaphore, #tpu.memory_space<semaphore_mem>>)
      %add3A_215 = arith.constant 4 : i32
      %add3A_216 = arith.addi %add3A_176, %add3A_215 : i32
      %dma_start3A_217 = arith.constant 0 : i32
      %dma_start3A_218 = tpu.memref_slice %arg4[%add3A, %add3A_216, %dma_start3A_217] : memref<32x128x80xi32, #tpu.memory_space<hbm>> -> memref<1x1x80xi32, #tpu.memory_space<hbm>>
      %dma_start3A_219 = tpu.memref_squeeze %dma_start3A_218 : memref<1x1x80xi32, #tpu.memory_space<hbm>> -> memref<80xi32, #tpu.memory_space<hbm>>
      %dma_start3A_220 = arith.constant 0 : i32
      %dma_start3A_221 = tpu.memref_slice %arg4[%add3A, %add3A_216, %dma_start3A_220] : memref<32x128x80xi32, #tpu.memory_space<hbm>> -> memref<1x1x80xi32, #tpu.memory_space<hbm>>
      %dma_start3A_222 = tpu.memref_squeeze %dma_start3A_221 : memref<1x1x80xi32, #tpu.memory_space<hbm>> -> memref<80xi32, #tpu.memory_space<hbm>>
      tpu.enqueue_dma source(%dma_start3A_222 : memref<80xi32, #tpu.memory_space<hbm>>) target(%arg20 : memref<80xi32, #tpu.memory_space<vmem>>) target_semaphore(%arg41 : memref<!tpu.dma_semaphore, #tpu.memory_space<semaphore_mem>>)
      %mul3A_223 = arith.constant 8 : i32
      %mul3A_224 = arith.muli %mul3A_223, %scan3A_125 : i32
      %add3A_225 = arith.constant 2 : i32
      %add3A_226 = arith.addi %mul3A_224, %add3A_225 : i32
      %dma_wait3A_227 = arith.constant 0 : i32
      %dma_wait3A_228 = arith.constant 0 : i32
      %dma_wait3A_229 = tpu.memref_slice %arg27[%dma_wait3A_227, %dma_wait3A_228] : memref<10240x128xf32, #tpu.memory_space<vmem_shared>> -> memref<10240x128xf32, #tpu.memory_space<vmem_shared>>
      tpu.wait_indirect_dma semaphore(%arg32 : memref<!tpu.dma_semaphore, #tpu.memory_space<semaphore_mem>>) src(%arg23 : memref<80x128xf32, #tpu.memory_space<vmem>>) dst(%dma_wait3A_229 : memref<10240x128xf32, #tpu.memory_space<vmem_shared>>)
      %add3A_230 = arith.constant 2 : i32
      %add3A_231 = arith.addi %add3A_226, %add3A_230 : i32
      %dma_wait3A_232 = arith.constant 0 : i32
      %dma_wait3A_233 = tpu.memref_slice %arg3[%add3A, %add3A_231, %dma_wait3A_232] : memref<32x128x80xi32, #tpu.memory_space<hbm>> -> memref<1x1x80xi32, #tpu.memory_space<hbm>>
      %dma_wait3A_234 = tpu.memref_squeeze %dma_wait3A_233 : memref<1x1x80xi32, #tpu.memory_space<hbm>> -> memref<80xi32, #tpu.memory_space<hbm>>
      %dma_wait3A_235 = arith.constant 0 : i32
      %dma_wait3A_236 = tpu.memref_slice %arg3[%add3A, %add3A_231, %dma_wait3A_235] : memref<32x128x80xi32, #tpu.memory_space<hbm>> -> memref<1x1x80xi32, #tpu.memory_space<hbm>>
      %dma_wait3A_237 = tpu.memref_squeeze %dma_wait3A_236 : memref<1x1x80xi32, #tpu.memory_space<hbm>> -> memref<80xi32, #tpu.memory_space<hbm>>
      tpu.wait_dma2 semaphore(%arg40 : memref<!tpu.dma_semaphore, #tpu.memory_space<semaphore_mem>>) src(%dma_wait3A_237 : memref<80xi32, #tpu.memory_space<hbm>>) dst(%arg11 : memref<80xi32, #tpu.memory_space<vmem>>)
      %add3A_238 = arith.constant 2 : i32
      %add3A_239 = arith.addi %add3A_226, %add3A_238 : i32
      %dma_wait3A_240 = arith.constant 0 : i32
      %dma_wait3A_241 = tpu.memref_slice %arg4[%add3A, %add3A_239, %dma_wait3A_240] : memref<32x128x80xi32, #tpu.memory_space<hbm>> -> memref<1x1x80xi32, #tpu.memory_space<hbm>>
      %dma_wait3A_242 = tpu.memref_squeeze %dma_wait3A_241 : memref<1x1x80xi32, #tpu.memory_space<hbm>> -> memref<80xi32, #tpu.memory_space<hbm>>
      %dma_wait3A_243 = arith.constant 0 : i32
      %dma_wait3A_244 = tpu.memref_slice %arg4[%add3A, %add3A_239, %dma_wait3A_243] : memref<32x128x80xi32, #tpu.memory_space<hbm>> -> memref<1x1x80xi32, #tpu.memory_space<hbm>>
      %dma_wait3A_245 = tpu.memref_squeeze %dma_wait3A_244 : memref<1x1x80xi32, #tpu.memory_space<hbm>> -> memref<80xi32, #tpu.memory_space<hbm>>
      tpu.wait_dma2 semaphore(%arg40 : memref<!tpu.dma_semaphore, #tpu.memory_space<semaphore_mem>>) src(%dma_wait3A_245 : memref<80xi32, #tpu.memory_space<hbm>>) dst(%arg19 : memref<80xi32, #tpu.memory_space<vmem>>)
      %dma_start3A_246 = arith.constant 0 : i32
      %dma_start3A_247 = arith.constant 0 : i32
      %dma_start3A_248 = tpu.memref_slice %arg2[%dma_start3A_246, %dma_start3A_247] : memref<10000x128xf32, #tpu.memory_space<hbm>> -> memref<10000x128xf32, #tpu.memory_space<hbm>>
      tpu.enqueue_indirect_dma source(%dma_start3A_248 : memref<10000x128xf32, #tpu.memory_space<hbm>>) target(%arg23 : memref<80x128xf32, #tpu.memory_space<vmem>>) offsets(%arg11 : memref<80xi32, #tpu.memory_space<vmem>>) semaphore(%arg28 : memref<!tpu.dma_semaphore, #tpu.memory_space<semaphore_mem>>)
      %dma_wait3A_249 = arith.constant 0 : i32
      %dma_wait3A_250 = arith.constant 0 : i32
      %dma_wait3A_251 = tpu.memref_slice %arg2[%dma_wait3A_249, %dma_wait3A_250] : memref<10000x128xf32, #tpu.memory_space<hbm>> -> memref<10000x128xf32, #tpu.memory_space<hbm>>
      tpu.wait_indirect_dma semaphore(%arg30 : memref<!tpu.dma_semaphore, #tpu.memory_space<semaphore_mem>>) src(%dma_wait3A_251 : memref<10000x128xf32, #tpu.memory_space<hbm>>) dst(%arg25 : memref<80x128xf32, #tpu.memory_space<vmem>>)
      %dma_start3A_252 = arith.constant 0 : i32
      %dma_start3A_253 = arith.constant 0 : i32
      %dma_start3A_254 = tpu.memref_slice %arg27[%dma_start3A_252, %dma_start3A_253] : memref<10240x128xf32, #tpu.memory_space<vmem_shared>> -> memref<10240x128xf32, #tpu.memory_space<vmem_shared>>
      tpu.enqueue_indirect_dma source(%arg25 : memref<80x128xf32, #tpu.memory_space<vmem>>) target(%dma_start3A_254 : memref<10240x128xf32, #tpu.memory_space<vmem_shared>>) offsets(%arg17 : memref<80xi32, #tpu.memory_space<vmem>>) semaphore(%arg34 : memref<!tpu.dma_semaphore, #tpu.memory_space<semaphore_mem>>) {add = true}
      %add3A_255 = arith.constant 4 : i32
      %add3A_256 = arith.addi %add3A_226, %add3A_255 : i32
      %dma_start3A_257 = arith.constant 0 : i32
      %dma_start3A_258 = tpu.memref_slice %arg3[%add3A, %add3A_256, %dma_start3A_257] : memref<32x128x80xi32, #tpu.memory_space<hbm>> -> memref<1x1x80xi32, #tpu.memory_space<hbm>>
      %dma_start3A_259 = tpu.memref_squeeze %dma_start3A_258 : memref<1x1x80xi32, #tpu.memory_space<hbm>> -> memref<80xi32, #tpu.memory_space<hbm>>
      %dma_start3A_260 = arith.constant 0 : i32
      %dma_start3A_261 = tpu.memref_slice %arg3[%add3A, %add3A_256, %dma_start3A_260] : memref<32x128x80xi32, #tpu.memory_space<hbm>> -> memref<1x1x80xi32, #tpu.memory_space<hbm>>
      %dma_start3A_262 = tpu.memref_squeeze %dma_start3A_261 : memref<1x1x80xi32, #tpu.memory_space<hbm>> -> memref<80xi32, #tpu.memory_space<hbm>>
      tpu.enqueue_dma source(%dma_start3A_262 : memref<80xi32, #tpu.memory_space<hbm>>) target(%arg13 : memref<80xi32, #tpu.memory_space<vmem>>) target_semaphore(%arg42 : memref<!tpu.dma_semaphore, #tpu.memory_space<semaphore_mem>>)
      %add3A_263 = arith.constant 4 : i32
      %add3A_264 = arith.addi %add3A_226, %add3A_263 : i32
      %dma_start3A_265 = arith.constant 0 : i32
      %dma_start3A_266 = tpu.memref_slice %arg4[%add3A, %add3A_264, %dma_start3A_265] : memref<32x128x80xi32, #tpu.memory_space<hbm>> -> memref<1x1x80xi32, #tpu.memory_space<hbm>>
      %dma_start3A_267 = tpu.memref_squeeze %dma_start3A_266 : memref<1x1x80xi32, #tpu.memory_space<hbm>> -> memref<80xi32, #tpu.memory_space<hbm>>
      %dma_start3A_268 = arith.constant 0 : i32
      %dma_start3A_269 = tpu.memref_slice %arg4[%add3A, %add3A_264, %dma_start3A_268] : memref<32x128x80xi32, #tpu.memory_space<hbm>> -> memref<1x1x80xi32, #tpu.memory_space<hbm>>
      %dma_start3A_270 = tpu.memref_squeeze %dma_start3A_269 : memref<1x1x80xi32, #tpu.memory_space<hbm>> -> memref<80xi32, #tpu.memory_space<hbm>>
      tpu.enqueue_dma source(%dma_start3A_270 : memref<80xi32, #tpu.memory_space<hbm>>) target(%arg21 : memref<80xi32, #tpu.memory_space<vmem>>) target_semaphore(%arg42 : memref<!tpu.dma_semaphore, #tpu.memory_space<semaphore_mem>>)
      %mul3A_271 = arith.constant 8 : i32
      %mul3A_272 = arith.muli %mul3A_271, %scan3A_125 : i32
      %add3A_273 = arith.constant 3 : i32
      %add3A_274 = arith.addi %mul3A_272, %add3A_273 : i32
      %dma_wait3A_275 = arith.constant 0 : i32
      %dma_wait3A_276 = arith.constant 0 : i32
      %dma_wait3A_277 = tpu.memref_slice %arg27[%dma_wait3A_275, %dma_wait3A_276] : memref<10240x128xf32, #tpu.memory_space<vmem_shared>> -> memref<10240x128xf32, #tpu.memory_space<vmem_shared>>
      tpu.wait_indirect_dma semaphore(%arg33 : memref<!tpu.dma_semaphore, #tpu.memory_space<semaphore_mem>>) src(%arg24 : memref<80x128xf32, #tpu.memory_space<vmem>>) dst(%dma_wait3A_277 : memref<10240x128xf32, #tpu.memory_space<vmem_shared>>)
      %add3A_278 = arith.constant 2 : i32
      %add3A_279 = arith.addi %add3A_274, %add3A_278 : i32
      %dma_wait3A_280 = arith.constant 0 : i32
      %dma_wait3A_281 = tpu.memref_slice %arg3[%add3A, %add3A_279, %dma_wait3A_280] : memref<32x128x80xi32, #tpu.memory_space<hbm>> -> memref<1x1x80xi32, #tpu.memory_space<hbm>>
      %dma_wait3A_282 = tpu.memref_squeeze %dma_wait3A_281 : memref<1x1x80xi32, #tpu.memory_space<hbm>> -> memref<80xi32, #tpu.memory_space<hbm>>
      %dma_wait3A_283 = arith.constant 0 : i32
      %dma_wait3A_284 = tpu.memref_slice %arg3[%add3A, %add3A_279, %dma_wait3A_283] : memref<32x128x80xi32, #tpu.memory_space<hbm>> -> memref<1x1x80xi32, #tpu.memory_space<hbm>>
      %dma_wait3A_285 = tpu.memref_squeeze %dma_wait3A_284 : memref<1x1x80xi32, #tpu.memory_space<hbm>> -> memref<80xi32, #tpu.memory_space<hbm>>
      tpu.wait_dma2 semaphore(%arg41 : memref<!tpu.dma_semaphore, #tpu.memory_space<semaphore_mem>>) src(%dma_wait3A_285 : memref<80xi32, #tpu.memory_space<hbm>>) dst(%arg12 : memref<80xi32, #tpu.memory_space<vmem>>)
      %add3A_286 = arith.constant 2 : i32
      %add3A_287 = arith.addi %add3A_274, %add3A_286 : i32
      %dma_wait3A_288 = arith.constant 0 : i32
      %dma_wait3A_289 = tpu.memref_slice %arg4[%add3A, %add3A_287, %dma_wait3A_288] : memref<32x128x80xi32, #tpu.memory_space<hbm>> -> memref<1x1x80xi32, #tpu.memory_space<hbm>>
      %dma_wait3A_290 = tpu.memref_squeeze %dma_wait3A_289 : memref<1x1x80xi32, #tpu.memory_space<hbm>> -> memref<80xi32, #tpu.memory_space<hbm>>
      %dma_wait3A_291 = arith.constant 0 : i32
      %dma_wait3A_292 = tpu.memref_slice %arg4[%add3A, %add3A_287, %dma_wait3A_291] : memref<32x128x80xi32, #tpu.memory_space<hbm>> -> memref<1x1x80xi32, #tpu.memory_space<hbm>>
      %dma_wait3A_293 = tpu.memref_squeeze %dma_wait3A_292 : memref<1x1x80xi32, #tpu.memory_space<hbm>> -> memref<80xi32, #tpu.memory_space<hbm>>
      tpu.wait_dma2 semaphore(%arg41 : memref<!tpu.dma_semaphore, #tpu.memory_space<semaphore_mem>>) src(%dma_wait3A_293 : memref<80xi32, #tpu.memory_space<hbm>>) dst(%arg20 : memref<80xi32, #tpu.memory_space<vmem>>)
      %dma_start3A_294 = arith.constant 0 : i32
      %dma_start3A_295 = arith.constant 0 : i32
      %dma_start3A_296 = tpu.memref_slice %arg2[%dma_start3A_294, %dma_start3A_295] : memref<10000x128xf32, #tpu.memory_space<hbm>> -> memref<10000x128xf32, #tpu.memory_space<hbm>>
      tpu.enqueue_indirect_dma source(%dma_start3A_296 : memref<10000x128xf32, #tpu.memory_space<hbm>>) target(%arg24 : memref<80x128xf32, #tpu.memory_space<vmem>>) offsets(%arg12 : memref<80xi32, #tpu.memory_space<vmem>>) semaphore(%arg29 : memref<!tpu.dma_semaphore, #tpu.memory_space<semaphore_mem>>)
      %dma_wait3A_297 = arith.constant 0 : i32
      %dma_wait3A_298 = arith.constant 0 : i32
      %dma_wait3A_299 = tpu.memref_slice %arg2[%dma_wait3A_297, %dma_wait3A_298] : memref<10000x128xf32, #tpu.memory_space<hbm>> -> memref<10000x128xf32, #tpu.memory_space<hbm>>
      tpu.wait_indirect_dma semaphore(%arg31 : memref<!tpu.dma_semaphore, #tpu.memory_space<semaphore_mem>>) src(%dma_wait3A_299 : memref<10000x128xf32, #tpu.memory_space<hbm>>) dst(%arg26 : memref<80x128xf32, #tpu.memory_space<vmem>>)
      %dma_start3A_300 = arith.constant 0 : i32
      %dma_start3A_301 = arith.constant 0 : i32
      %dma_start3A_302 = tpu.memref_slice %arg27[%dma_start3A_300, %dma_start3A_301] : memref<10240x128xf32, #tpu.memory_space<vmem_shared>> -> memref<10240x128xf32, #tpu.memory_space<vmem_shared>>
      tpu.enqueue_indirect_dma source(%arg26 : memref<80x128xf32, #tpu.memory_space<vmem>>) target(%dma_start3A_302 : memref<10240x128xf32, #tpu.memory_space<vmem_shared>>) offsets(%arg18 : memref<80xi32, #tpu.memory_space<vmem>>) semaphore(%arg35 : memref<!tpu.dma_semaphore, #tpu.memory_space<semaphore_mem>>) {add = true}
      %add3A_303 = arith.constant 4 : i32
      %add3A_304 = arith.addi %add3A_274, %add3A_303 : i32
      %dma_start3A_305 = arith.constant 0 : i32
      %dma_start3A_306 = tpu.memref_slice %arg3[%add3A, %add3A_304, %dma_start3A_305] : memref<32x128x80xi32, #tpu.memory_space<hbm>> -> memref<1x1x80xi32, #tpu.memory_space<hbm>>
      %dma_start3A_307 = tpu.memref_squeeze %dma_start3A_306 : memref<1x1x80xi32, #tpu.memory_space<hbm>> -> memref<80xi32, #tpu.memory_space<hbm>>
      %dma_start3A_308 = arith.constant 0 : i32
      %dma_start3A_309 = tpu.memref_slice %arg3[%add3A, %add3A_304, %dma_start3A_308] : memref<32x128x80xi32, #tpu.memory_space<hbm>> -> memref<1x1x80xi32, #tpu.memory_space<hbm>>
      %dma_start3A_310 = tpu.memref_squeeze %dma_start3A_309 : memref<1x1x80xi32, #tpu.memory_space<hbm>> -> memref<80xi32, #tpu.memory_space<hbm>>
      tpu.enqueue_dma source(%dma_start3A_310 : memref<80xi32, #tpu.memory_space<hbm>>) target(%arg14 : memref<80xi32, #tpu.memory_space<vmem>>) target_semaphore(%arg43 : memref<!tpu.dma_semaphore, #tpu.memory_space<semaphore_mem>>)
      %add3A_311 = arith.constant 4 : i32
      %add3A_312 = arith.addi %add3A_274, %add3A_311 : i32
      %dma_start3A_313 = arith.constant 0 : i32
      %dma_start3A_314 = tpu.memref_slice %arg4[%add3A, %add3A_312, %dma_start3A_313] : memref<32x128x80xi32, #tpu.memory_space<hbm>> -> memref<1x1x80xi32, #tpu.memory_space<hbm>>
      %dma_start3A_315 = tpu.memref_squeeze %dma_start3A_314 : memref<1x1x80xi32, #tpu.memory_space<hbm>> -> memref<80xi32, #tpu.memory_space<hbm>>
      %dma_start3A_316 = arith.constant 0 : i32
      %dma_start3A_317 = tpu.memref_slice %arg4[%add3A, %add3A_312, %dma_start3A_316] : memref<32x128x80xi32, #tpu.memory_space<hbm>> -> memref<1x1x80xi32, #tpu.memory_space<hbm>>
      %dma_start3A_318 = tpu.memref_squeeze %dma_start3A_317 : memref<1x1x80xi32, #tpu.memory_space<hbm>> -> memref<80xi32, #tpu.memory_space<hbm>>
      tpu.enqueue_dma source(%dma_start3A_318 : memref<80xi32, #tpu.memory_space<hbm>>) target(%arg22 : memref<80xi32, #tpu.memory_space<vmem>>) target_semaphore(%arg43 : memref<!tpu.dma_semaphore, #tpu.memory_space<semaphore_mem>>)
      %mul3A_319 = arith.constant 8 : i32
      %mul3A_320 = arith.muli %mul3A_319, %scan3A_125 : i32
      %add3A_321 = arith.constant 4 : i32
      %add3A_322 = arith.addi %mul3A_320, %add3A_321 : i32
      %dma_wait3A_323 = arith.constant 0 : i32
      %dma_wait3A_324 = arith.constant 0 : i32
      %dma_wait3A_325 = tpu.memref_slice %arg27[%dma_wait3A_323, %dma_wait3A_324] : memref<10240x128xf32, #tpu.memory_space<vmem_shared>> -> memref<10240x128xf32, #tpu.memory_space<vmem_shared>>
      tpu.wait_indirect_dma semaphore(%arg34 : memref<!tpu.dma_semaphore, #tpu.memory_space<semaphore_mem>>) src(%arg25 : memref<80x128xf32, #tpu.memory_space<vmem>>) dst(%dma_wait3A_325 : memref<10240x128xf32, #tpu.memory_space<vmem_shared>>)
      %add3A_326 = arith.constant 2 : i32
      %add3A_327 = arith.addi %add3A_322, %add3A_326 : i32
      %dma_wait3A_328 = arith.constant 0 : i32
      %dma_wait3A_329 = tpu.memref_slice %arg3[%add3A, %add3A_327, %dma_wait3A_328] : memref<32x128x80xi32, #tpu.memory_space<hbm>> -> memref<1x1x80xi32, #tpu.memory_space<hbm>>
      %dma_wait3A_330 = tpu.memref_squeeze %dma_wait3A_329 : memref<1x1x80xi32, #tpu.memory_space<hbm>> -> memref<80xi32, #tpu.memory_space<hbm>>
      %dma_wait3A_331 = arith.constant 0 : i32
      %dma_wait3A_332 = tpu.memref_slice %arg3[%add3A, %add3A_327, %dma_wait3A_331] : memref<32x128x80xi32, #tpu.memory_space<hbm>> -> memref<1x1x80xi32, #tpu.memory_space<hbm>>
      %dma_wait3A_333 = tpu.memref_squeeze %dma_wait3A_332 : memref<1x1x80xi32, #tpu.memory_space<hbm>> -> memref<80xi32, #tpu.memory_space<hbm>>
      tpu.wait_dma2 semaphore(%arg42 : memref<!tpu.dma_semaphore, #tpu.memory_space<semaphore_mem>>) src(%dma_wait3A_333 : memref<80xi32, #tpu.memory_space<hbm>>) dst(%arg13 : memref<80xi32, #tpu.memory_space<vmem>>)
      %add3A_334 = arith.constant 2 : i32
      %add3A_335 = arith.addi %add3A_322, %add3A_334 : i32
      %dma_wait3A_336 = arith.constant 0 : i32
      %dma_wait3A_337 = tpu.memref_slice %arg4[%add3A, %add3A_335, %dma_wait3A_336] : memref<32x128x80xi32, #tpu.memory_space<hbm>> -> memref<1x1x80xi32, #tpu.memory_space<hbm>>
      %dma_wait3A_338 = tpu.memref_squeeze %dma_wait3A_337 : memref<1x1x80xi32, #tpu.memory_space<hbm>> -> memref<80xi32, #tpu.memory_space<hbm>>
      %dma_wait3A_339 = arith.constant 0 : i32
      %dma_wait3A_340 = tpu.memref_slice %arg4[%add3A, %add3A_335, %dma_wait3A_339] : memref<32x128x80xi32, #tpu.memory_space<hbm>> -> memref<1x1x80xi32, #tpu.memory_space<hbm>>
      %dma_wait3A_341 = tpu.memref_squeeze %dma_wait3A_340 : memref<1x1x80xi32, #tpu.memory_space<hbm>> -> memref<80xi32, #tpu.memory_space<hbm>>
      tpu.wait_dma2 semaphore(%arg42 : memref<!tpu.dma_semaphore, #tpu.memory_space<semaphore_mem>>) src(%dma_wait3A_341 : memref<80xi32, #tpu.memory_space<hbm>>) dst(%arg21 : memref<80xi32, #tpu.memory_space<vmem>>)
      %dma_start3A_342 = arith.constant 0 : i32
      %dma_start3A_343 = arith.constant 0 : i32
      %dma_start3A_344 = tpu.memref_slice %arg2[%dma_start3A_342, %dma_start3A_343] : memref<10000x128xf32, #tpu.memory_space<hbm>> -> memref<10000x128xf32, #tpu.memory_space<hbm>>
      tpu.enqueue_indirect_dma source(%dma_start3A_344 : memref<10000x128xf32, #tpu.memory_space<hbm>>) target(%arg25 : memref<80x128xf32, #tpu.memory_space<vmem>>) offsets(%arg13 : memref<80xi32, #tpu.memory_space<vmem>>) semaphore(%arg30 : memref<!tpu.dma_semaphore, #tpu.memory_space<semaphore_mem>>)
      %dma_wait3A_345 = arith.constant 0 : i32
      %dma_wait3A_346 = arith.constant 0 : i32
      %dma_wait3A_347 = tpu.memref_slice %arg2[%dma_wait3A_345, %dma_wait3A_346] : memref<10000x128xf32, #tpu.memory_space<hbm>> -> memref<10000x128xf32, #tpu.memory_space<hbm>>
      tpu.wait_indirect_dma semaphore(%arg28 : memref<!tpu.dma_semaphore, #tpu.memory_space<semaphore_mem>>) src(%dma_wait3A_347 : memref<10000x128xf32, #tpu.memory_space<hbm>>) dst(%arg23 : memref<80x128xf32, #tpu.memory_space<vmem>>)
      %dma_start3A_348 = arith.constant 0 : i32
      %dma_start3A_349 = arith.constant 0 : i32
      %dma_start3A_350 = tpu.memref_slice %arg27[%dma_start3A_348, %dma_start3A_349] : memref<10240x128xf32, #tpu.memory_space<vmem_shared>> -> memref<10240x128xf32, #tpu.memory_space<vmem_shared>>
      tpu.enqueue_indirect_dma source(%arg23 : memref<80x128xf32, #tpu.memory_space<vmem>>) target(%dma_start3A_350 : memref<10240x128xf32, #tpu.memory_space<vmem_shared>>) offsets(%arg19 : memref<80xi32, #tpu.memory_space<vmem>>) semaphore(%arg32 : memref<!tpu.dma_semaphore, #tpu.memory_space<semaphore_mem>>) {add = true}
      %lt3A = arith.constant 15 : i32
      %lt3A_351 = arith.cmpi slt, %scan3A_125, %lt3A : i32
      %convert_element_type3A_352 = arith.extui %lt3A_351 : i1 to i32
      %cond3A_353 = arith.constant 0 : i32
      %cond3A_354 = arith.cmpi ne, %convert_element_type3A_352, %cond3A_353 : i32
      scf.if %cond3A_354 {
        %add3A_438 = arith.constant 4 : i32
        %add3A_439 = arith.addi %add3A_322, %add3A_438 : i32
        %dma_start3A_440 = arith.constant 0 : i32
        %dma_start3A_441 = tpu.memref_slice %arg3[%add3A, %add3A_439, %dma_start3A_440] : memref<32x128x80xi32, #tpu.memory_space<hbm>> -> memref<1x1x80xi32, #tpu.memory_space<hbm>>
        %dma_start3A_442 = tpu.memref_squeeze %dma_start3A_441 : memref<1x1x80xi32, #tpu.memory_space<hbm>> -> memref<80xi32, #tpu.memory_space<hbm>>
        %dma_start3A_443 = arith.constant 0 : i32
        %dma_start3A_444 = tpu.memref_slice %arg3[%add3A, %add3A_439, %dma_start3A_443] : memref<32x128x80xi32, #tpu.memory_space<hbm>> -> memref<1x1x80xi32, #tpu.memory_space<hbm>>
        %dma_start3A_445 = tpu.memref_squeeze %dma_start3A_444 : memref<1x1x80xi32, #tpu.memory_space<hbm>> -> memref<80xi32, #tpu.memory_space<hbm>>
        tpu.enqueue_dma source(%dma_start3A_445 : memref<80xi32, #tpu.memory_space<hbm>>) target(%arg7 : memref<80xi32, #tpu.memory_space<vmem>>) target_semaphore(%arg36 : memref<!tpu.dma_semaphore, #tpu.memory_space<semaphore_mem>>)
        %add3A_446 = arith.constant 4 : i32
        %add3A_447 = arith.addi %add3A_322, %add3A_446 : i32
        %dma_start3A_448 = arith.constant 0 : i32
        %dma_start3A_449 = tpu.memref_slice %arg4[%add3A, %add3A_447, %dma_start3A_448] : memref<32x128x80xi32, #tpu.memory_space<hbm>> -> memref<1x1x80xi32, #tpu.memory_space<hbm>>
        %dma_start3A_450 = tpu.memref_squeeze %dma_start3A_449 : memref<1x1x80xi32, #tpu.memory_space<hbm>> -> memref<80xi32, #tpu.memory_space<hbm>>
        %dma_start3A_451 = arith.constant 0 : i32
        %dma_start3A_452 = tpu.memref_slice %arg4[%add3A, %add3A_447, %dma_start3A_451] : memref<32x128x80xi32, #tpu.memory_space<hbm>> -> memref<1x1x80xi32, #tpu.memory_space<hbm>>
        %dma_start3A_453 = tpu.memref_squeeze %dma_start3A_452 : memref<1x1x80xi32, #tpu.memory_space<hbm>> -> memref<80xi32, #tpu.memory_space<hbm>>
        tpu.enqueue_dma source(%dma_start3A_453 : memref<80xi32, #tpu.memory_space<hbm>>) target(%arg15 : memref<80xi32, #tpu.memory_space<vmem>>) target_semaphore(%arg36 : memref<!tpu.dma_semaphore, #tpu.memory_space<semaphore_mem>>)
      } else {
      }
      %mul3A_355 = arith.constant 8 : i32
      %mul3A_356 = arith.muli %mul3A_355, %scan3A_125 : i32
      %add3A_357 = arith.constant 5 : i32
      %add3A_358 = arith.addi %mul3A_356, %add3A_357 : i32
      %dma_wait3A_359 = arith.constant 0 : i32
      %dma_wait3A_360 = arith.constant 0 : i32
      %dma_wait3A_361 = tpu.memref_slice %arg27[%dma_wait3A_359, %dma_wait3A_360] : memref<10240x128xf32, #tpu.memory_space<vmem_shared>> -> memref<10240x128xf32, #tpu.memory_space<vmem_shared>>
      tpu.wait_indirect_dma semaphore(%arg35 : memref<!tpu.dma_semaphore, #tpu.memory_space<semaphore_mem>>) src(%arg26 : memref<80x128xf32, #tpu.memory_space<vmem>>) dst(%dma_wait3A_361 : memref<10240x128xf32, #tpu.memory_space<vmem_shared>>)
      %add3A_362 = arith.constant 2 : i32
      %add3A_363 = arith.addi %add3A_358, %add3A_362 : i32
      %dma_wait3A_364 = arith.constant 0 : i32
      %dma_wait3A_365 = tpu.memref_slice %arg3[%add3A, %add3A_363, %dma_wait3A_364] : memref<32x128x80xi32, #tpu.memory_space<hbm>> -> memref<1x1x80xi32, #tpu.memory_space<hbm>>
      %dma_wait3A_366 = tpu.memref_squeeze %dma_wait3A_365 : memref<1x1x80xi32, #tpu.memory_space<hbm>> -> memref<80xi32, #tpu.memory_space<hbm>>
      %dma_wait3A_367 = arith.constant 0 : i32
      %dma_wait3A_368 = tpu.memref_slice %arg3[%add3A, %add3A_363, %dma_wait3A_367] : memref<32x128x80xi32, #tpu.memory_space<hbm>> -> memref<1x1x80xi32, #tpu.memory_space<hbm>>
      %dma_wait3A_369 = tpu.memref_squeeze %dma_wait3A_368 : memref<1x1x80xi32, #tpu.memory_space<hbm>> -> memref<80xi32, #tpu.memory_space<hbm>>
      tpu.wait_dma2 semaphore(%arg43 : memref<!tpu.dma_semaphore, #tpu.memory_space<semaphore_mem>>) src(%dma_wait3A_369 : memref<80xi32, #tpu.memory_space<hbm>>) dst(%arg14 : memref<80xi32, #tpu.memory_space<vmem>>)
      %add3A_370 = arith.constant 2 : i32
      %add3A_371 = arith.addi %add3A_358, %add3A_370 : i32
      %dma_wait3A_372 = arith.constant 0 : i32
      %dma_wait3A_373 = tpu.memref_slice %arg4[%add3A, %add3A_371, %dma_wait3A_372] : memref<32x128x80xi32, #tpu.memory_space<hbm>> -> memref<1x1x80xi32, #tpu.memory_space<hbm>>
      %dma_wait3A_374 = tpu.memref_squeeze %dma_wait3A_373 : memref<1x1x80xi32, #tpu.memory_space<hbm>> -> memref<80xi32, #tpu.memory_space<hbm>>
      %dma_wait3A_375 = arith.constant 0 : i32
      %dma_wait3A_376 = tpu.memref_slice %arg4[%add3A, %add3A_371, %dma_wait3A_375] : memref<32x128x80xi32, #tpu.memory_space<hbm>> -> memref<1x1x80xi32, #tpu.memory_space<hbm>>
      %dma_wait3A_377 = tpu.memref_squeeze %dma_wait3A_376 : memref<1x1x80xi32, #tpu.memory_space<hbm>> -> memref<80xi32, #tpu.memory_space<hbm>>
      tpu.wait_dma2 semaphore(%arg43 : memref<!tpu.dma_semaphore, #tpu.memory_space<semaphore_mem>>) src(%dma_wait3A_377 : memref<80xi32, #tpu.memory_space<hbm>>) dst(%arg22 : memref<80xi32, #tpu.memory_space<vmem>>)
      %dma_start3A_378 = arith.constant 0 : i32
      %dma_start3A_379 = arith.constant 0 : i32
      %dma_start3A_380 = tpu.memref_slice %arg2[%dma_start3A_378, %dma_start3A_379] : memref<10000x128xf32, #tpu.memory_space<hbm>> -> memref<10000x128xf32, #tpu.memory_space<hbm>>
      tpu.enqueue_indirect_dma source(%dma_start3A_380 : memref<10000x128xf32, #tpu.memory_space<hbm>>) target(%arg26 : memref<80x128xf32, #tpu.memory_space<vmem>>) offsets(%arg14 : memref<80xi32, #tpu.memory_space<vmem>>) semaphore(%arg31 : memref<!tpu.dma_semaphore, #tpu.memory_space<semaphore_mem>>)
      %dma_wait3A_381 = arith.constant 0 : i32
      %dma_wait3A_382 = arith.constant 0 : i32
      %dma_wait3A_383 = tpu.memref_slice %arg2[%dma_wait3A_381, %dma_wait3A_382] : memref<10000x128xf32, #tpu.memory_space<hbm>> -> memref<10000x128xf32, #tpu.memory_space<hbm>>
      tpu.wait_indirect_dma semaphore(%arg29 : memref<!tpu.dma_semaphore, #tpu.memory_space<semaphore_mem>>) src(%dma_wait3A_383 : memref<10000x128xf32, #tpu.memory_space<hbm>>) dst(%arg24 : memref<80x128xf32, #tpu.memory_space<vmem>>)
      %dma_start3A_384 = arith.constant 0 : i32
      %dma_start3A_385 = arith.constant 0 : i32
      %dma_start3A_386 = tpu.memref_slice %arg27[%dma_start3A_384, %dma_start3A_385] : memref<10240x128xf32, #tpu.memory_space<vmem_shared>> -> memref<10240x128xf32, #tpu.memory_space<vmem_shared>>
      tpu.enqueue_indirect_dma source(%arg24 : memref<80x128xf32, #tpu.memory_space<vmem>>) target(%dma_start3A_386 : memref<10240x128xf32, #tpu.memory_space<vmem_shared>>) offsets(%arg20 : memref<80xi32, #tpu.memory_space<vmem>>) semaphore(%arg33 : memref<!tpu.dma_semaphore, #tpu.memory_space<semaphore_mem>>) {add = true}
      %lt3A_387 = arith.constant 15 : i32
      %lt3A_388 = arith.cmpi slt, %scan3A_125, %lt3A_387 : i32
      %convert_element_type3A_389 = arith.extui %lt3A_388 : i1 to i32
      %cond3A_390 = arith.constant 0 : i32
      %cond3A_391 = arith.cmpi ne, %convert_element_type3A_389, %cond3A_390 : i32
      scf.if %cond3A_391 {
        %add3A_438 = arith.constant 4 : i32
        %add3A_439 = arith.addi %add3A_358, %add3A_438 : i32
        %dma_start3A_440 = arith.constant 0 : i32
        %dma_start3A_441 = tpu.memref_slice %arg3[%add3A, %add3A_439, %dma_start3A_440] : memref<32x128x80xi32, #tpu.memory_space<hbm>> -> memref<1x1x80xi32, #tpu.memory_space<hbm>>
        %dma_start3A_442 = tpu.memref_squeeze %dma_start3A_441 : memref<1x1x80xi32, #tpu.memory_space<hbm>> -> memref<80xi32, #tpu.memory_space<hbm>>
        %dma_start3A_443 = arith.constant 0 : i32
        %dma_start3A_444 = tpu.memref_slice %arg3[%add3A, %add3A_439, %dma_start3A_443] : memref<32x128x80xi32, #tpu.memory_space<hbm>> -> memref<1x1x80xi32, #tpu.memory_space<hbm>>
        %dma_start3A_445 = tpu.memref_squeeze %dma_start3A_444 : memref<1x1x80xi32, #tpu.memory_space<hbm>> -> memref<80xi32, #tpu.memory_space<hbm>>
        tpu.enqueue_dma source(%dma_start3A_445 : memref<80xi32, #tpu.memory_space<hbm>>) target(%arg8 : memref<80xi32, #tpu.memory_space<vmem>>) target_semaphore(%arg37 : memref<!tpu.dma_semaphore, #tpu.memory_space<semaphore_mem>>)
        %add3A_446 = arith.constant 4 : i32
        %add3A_447 = arith.addi %add3A_358, %add3A_446 : i32
        %dma_start3A_448 = arith.constant 0 : i32
        %dma_start3A_449 = tpu.memref_slice %arg4[%add3A, %add3A_447, %dma_start3A_448] : memref<32x128x80xi32, #tpu.memory_space<hbm>> -> memref<1x1x80xi32, #tpu.memory_space<hbm>>
        %dma_start3A_450 = tpu.memref_squeeze %dma_start3A_449 : memref<1x1x80xi32, #tpu.memory_space<hbm>> -> memref<80xi32, #tpu.memory_space<hbm>>
        %dma_start3A_451 = arith.constant 0 : i32
        %dma_start3A_452 = tpu.memref_slice %arg4[%add3A, %add3A_447, %dma_start3A_451] : memref<32x128x80xi32, #tpu.memory_space<hbm>> -> memref<1x1x80xi32, #tpu.memory_space<hbm>>
        %dma_start3A_453 = tpu.memref_squeeze %dma_start3A_452 : memref<1x1x80xi32, #tpu.memory_space<hbm>> -> memref<80xi32, #tpu.memory_space<hbm>>
        tpu.enqueue_dma source(%dma_start3A_453 : memref<80xi32, #tpu.memory_space<hbm>>) target(%arg16 : memref<80xi32, #tpu.memory_space<vmem>>) target_semaphore(%arg37 : memref<!tpu.dma_semaphore, #tpu.memory_space<semaphore_mem>>)
      } else {
      }
      %mul3A_392 = arith.constant 8 : i32
      %mul3A_393 = arith.muli %mul3A_392, %scan3A_125 : i32
      %add3A_394 = arith.constant 6 : i32
      %add3A_395 = arith.addi %mul3A_393, %add3A_394 : i32
      %dma_wait3A_396 = arith.constant 0 : i32
      %dma_wait3A_397 = arith.constant 0 : i32
      %dma_wait3A_398 = tpu.memref_slice %arg27[%dma_wait3A_396, %dma_wait3A_397] : memref<10240x128xf32, #tpu.memory_space<vmem_shared>> -> memref<10240x128xf32, #tpu.memory_space<vmem_shared>>
      tpu.wait_indirect_dma semaphore(%arg32 : memref<!tpu.dma_semaphore, #tpu.memory_space<semaphore_mem>>) src(%arg23 : memref<80x128xf32, #tpu.memory_space<vmem>>) dst(%dma_wait3A_398 : memref<10240x128xf32, #tpu.memory_space<vmem_shared>>)
      %lt3A_399 = arith.constant 15 : i32
      %lt3A_400 = arith.cmpi slt, %scan3A_125, %lt3A_399 : i32
      %convert_element_type3A_401 = arith.extui %lt3A_400 : i1 to i32
      %cond3A_402 = arith.constant 0 : i32
      %cond3A_403 = arith.cmpi ne, %convert_element_type3A_401, %cond3A_402 : i32
      scf.if %cond3A_403 {
        %add3A_438 = arith.constant 2 : i32
        %add3A_439 = arith.addi %add3A_395, %add3A_438 : i32
        %dma_wait3A_440 = arith.constant 0 : i32
        %dma_wait3A_441 = tpu.memref_slice %arg3[%add3A, %add3A_439, %dma_wait3A_440] : memref<32x128x80xi32, #tpu.memory_space<hbm>> -> memref<1x1x80xi32, #tpu.memory_space<hbm>>
        %dma_wait3A_442 = tpu.memref_squeeze %dma_wait3A_441 : memref<1x1x80xi32, #tpu.memory_space<hbm>> -> memref<80xi32, #tpu.memory_space<hbm>>
        %dma_wait3A_443 = arith.constant 0 : i32
        %dma_wait3A_444 = tpu.memref_slice %arg3[%add3A, %add3A_439, %dma_wait3A_443] : memref<32x128x80xi32, #tpu.memory_space<hbm>> -> memref<1x1x80xi32, #tpu.memory_space<hbm>>
        %dma_wait3A_445 = tpu.memref_squeeze %dma_wait3A_444 : memref<1x1x80xi32, #tpu.memory_space<hbm>> -> memref<80xi32, #tpu.memory_space<hbm>>
        tpu.wait_dma2 semaphore(%arg36 : memref<!tpu.dma_semaphore, #tpu.memory_space<semaphore_mem>>) src(%dma_wait3A_445 : memref<80xi32, #tpu.memory_space<hbm>>) dst(%arg7 : memref<80xi32, #tpu.memory_space<vmem>>)
        %add3A_446 = arith.constant 2 : i32
        %add3A_447 = arith.addi %add3A_395, %add3A_446 : i32
        %dma_wait3A_448 = arith.constant 0 : i32
        %dma_wait3A_449 = tpu.memref_slice %arg4[%add3A, %add3A_447, %dma_wait3A_448] : memref<32x128x80xi32, #tpu.memory_space<hbm>> -> memref<1x1x80xi32, #tpu.memory_space<hbm>>
        %dma_wait3A_450 = tpu.memref_squeeze %dma_wait3A_449 : memref<1x1x80xi32, #tpu.memory_space<hbm>> -> memref<80xi32, #tpu.memory_space<hbm>>
        %dma_wait3A_451 = arith.constant 0 : i32
        %dma_wait3A_452 = tpu.memref_slice %arg4[%add3A, %add3A_447, %dma_wait3A_451] : memref<32x128x80xi32, #tpu.memory_space<hbm>> -> memref<1x1x80xi32, #tpu.memory_space<hbm>>
        %dma_wait3A_453 = tpu.memref_squeeze %dma_wait3A_452 : memref<1x1x80xi32, #tpu.memory_space<hbm>> -> memref<80xi32, #tpu.memory_space<hbm>>
        tpu.wait_dma2 semaphore(%arg36 : memref<!tpu.dma_semaphore, #tpu.memory_space<semaphore_mem>>) src(%dma_wait3A_453 : memref<80xi32, #tpu.memory_space<hbm>>) dst(%arg15 : memref<80xi32, #tpu.memory_space<vmem>>)
        %dma_start3A_454 = arith.constant 0 : i32
        %dma_start3A_455 = arith.constant 0 : i32
        %dma_start3A_456 = tpu.memref_slice %arg2[%dma_start3A_454, %dma_start3A_455] : memref<10000x128xf32, #tpu.memory_space<hbm>> -> memref<10000x128xf32, #tpu.memory_space<hbm>>
        tpu.enqueue_indirect_dma source(%dma_start3A_456 : memref<10000x128xf32, #tpu.memory_space<hbm>>) target(%arg23 : memref<80x128xf32, #tpu.memory_space<vmem>>) offsets(%arg7 : memref<80xi32, #tpu.memory_space<vmem>>) semaphore(%arg28 : memref<!tpu.dma_semaphore, #tpu.memory_space<semaphore_mem>>)
      } else {
      }
      %dma_wait3A_404 = arith.constant 0 : i32
      %dma_wait3A_405 = arith.constant 0 : i32
      %dma_wait3A_406 = tpu.memref_slice %arg2[%dma_wait3A_404, %dma_wait3A_405] : memref<10000x128xf32, #tpu.memory_space<hbm>> -> memref<10000x128xf32, #tpu.memory_space<hbm>>
      tpu.wait_indirect_dma semaphore(%arg30 : memref<!tpu.dma_semaphore, #tpu.memory_space<semaphore_mem>>) src(%dma_wait3A_406 : memref<10000x128xf32, #tpu.memory_space<hbm>>) dst(%arg25 : memref<80x128xf32, #tpu.memory_space<vmem>>)
      %dma_start3A_407 = arith.constant 0 : i32
      %dma_start3A_408 = arith.constant 0 : i32
      %dma_start3A_409 = tpu.memref_slice %arg27[%dma_start3A_407, %dma_start3A_408] : memref<10240x128xf32, #tpu.memory_space<vmem_shared>> -> memref<10240x128xf32, #tpu.memory_space<vmem_shared>>
      tpu.enqueue_indirect_dma source(%arg25 : memref<80x128xf32, #tpu.memory_space<vmem>>) target(%dma_start3A_409 : memref<10240x128xf32, #tpu.memory_space<vmem_shared>>) offsets(%arg21 : memref<80xi32, #tpu.memory_space<vmem>>) semaphore(%arg34 : memref<!tpu.dma_semaphore, #tpu.memory_space<semaphore_mem>>) {add = true}
      %lt3A_410 = arith.constant 15 : i32
      %lt3A_411 = arith.cmpi slt, %scan3A_125, %lt3A_410 : i32
      %convert_element_type3A_412 = arith.extui %lt3A_411 : i1 to i32
      %cond3A_413 = arith.constant 0 : i32
      %cond3A_414 = arith.cmpi ne, %convert_element_type3A_412, %cond3A_413 : i32
      scf.if %cond3A_414 {
        %add3A_438 = arith.constant 4 : i32
        %add3A_439 = arith.addi %add3A_395, %add3A_438 : i32
        %dma_start3A_440 = arith.constant 0 : i32
        %dma_start3A_441 = tpu.memref_slice %arg3[%add3A, %add3A_439, %dma_start3A_440] : memref<32x128x80xi32, #tpu.memory_space<hbm>> -> memref<1x1x80xi32, #tpu.memory_space<hbm>>
        %dma_start3A_442 = tpu.memref_squeeze %dma_start3A_441 : memref<1x1x80xi32, #tpu.memory_space<hbm>> -> memref<80xi32, #tpu.memory_space<hbm>>
        %dma_start3A_443 = arith.constant 0 : i32
        %dma_start3A_444 = tpu.memref_slice %arg3[%add3A, %add3A_439, %dma_start3A_443] : memref<32x128x80xi32, #tpu.memory_space<hbm>> -> memref<1x1x80xi32, #tpu.memory_space<hbm>>
        %dma_start3A_445 = tpu.memref_squeeze %dma_start3A_444 : memref<1x1x80xi32, #tpu.memory_space<hbm>> -> memref<80xi32, #tpu.memory_space<hbm>>
        tpu.enqueue_dma source(%dma_start3A_445 : memref<80xi32, #tpu.memory_space<hbm>>) target(%arg9 : memref<80xi32, #tpu.memory_space<vmem>>) target_semaphore(%arg38 : memref<!tpu.dma_semaphore, #tpu.memory_space<semaphore_mem>>)
        %add3A_446 = arith.constant 4 : i32
        %add3A_447 = arith.addi %add3A_395, %add3A_446 : i32
        %dma_start3A_448 = arith.constant 0 : i32
        %dma_start3A_449 = tpu.memref_slice %arg4[%add3A, %add3A_447, %dma_start3A_448] : memref<32x128x80xi32, #tpu.memory_space<hbm>> -> memref<1x1x80xi32, #tpu.memory_space<hbm>>
        %dma_start3A_450 = tpu.memref_squeeze %dma_start3A_449 : memref<1x1x80xi32, #tpu.memory_space<hbm>> -> memref<80xi32, #tpu.memory_space<hbm>>
        %dma_start3A_451 = arith.constant 0 : i32
        %dma_start3A_452 = tpu.memref_slice %arg4[%add3A, %add3A_447, %dma_start3A_451] : memref<32x128x80xi32, #tpu.memory_space<hbm>> -> memref<1x1x80xi32, #tpu.memory_space<hbm>>
        %dma_start3A_453 = tpu.memref_squeeze %dma_start3A_452 : memref<1x1x80xi32, #tpu.memory_space<hbm>> -> memref<80xi32, #tpu.memory_space<hbm>>
        tpu.enqueue_dma source(%dma_start3A_453 : memref<80xi32, #tpu.memory_space<hbm>>) target(%arg17 : memref<80xi32, #tpu.memory_space<vmem>>) target_semaphore(%arg38 : memref<!tpu.dma_semaphore, #tpu.memory_space<semaphore_mem>>)
      } else {
      }
      %mul3A_415 = arith.constant 8 : i32
      %mul3A_416 = arith.muli %mul3A_415, %scan3A_125 : i32
      %add3A_417 = arith.constant 7 : i32
      %add3A_418 = arith.addi %mul3A_416, %add3A_417 : i32
      %dma_wait3A_419 = arith.constant 0 : i32
      %dma_wait3A_420 = arith.constant 0 : i32
      %dma_wait3A_421 = tpu.memref_slice %arg27[%dma_wait3A_419, %dma_wait3A_420] : memref<10240x128xf32, #tpu.memory_space<vmem_shared>> -> memref<10240x128xf32, #tpu.memory_space<vmem_shared>>
      tpu.wait_indirect_dma semaphore(%arg33 : memref<!tpu.dma_semaphore, #tpu.memory_space<semaphore_mem>>) src(%arg24 : memref<80x128xf32, #tpu.memory_space<vmem>>) dst(%dma_wait3A_421 : memref<10240x128xf32, #tpu.memory_space<vmem_shared>>)
      %lt3A_422 = arith.constant 15 : i32
      %lt3A_423 = arith.cmpi slt, %scan3A_125, %lt3A_422 : i32
      %convert_element_type3A_424 = arith.extui %lt3A_423 : i1 to i32
      %cond3A_425 = arith.constant 0 : i32
      %cond3A_426 = arith.cmpi ne, %convert_element_type3A_424, %cond3A_425 : i32
      scf.if %cond3A_426 {
        %add3A_438 = arith.constant 2 : i32
        %add3A_439 = arith.addi %add3A_418, %add3A_438 : i32
        %dma_wait3A_440 = arith.constant 0 : i32
        %dma_wait3A_441 = tpu.memref_slice %arg3[%add3A, %add3A_439, %dma_wait3A_440] : memref<32x128x80xi32, #tpu.memory_space<hbm>> -> memref<1x1x80xi32, #tpu.memory_space<hbm>>
        %dma_wait3A_442 = tpu.memref_squeeze %dma_wait3A_441 : memref<1x1x80xi32, #tpu.memory_space<hbm>> -> memref<80xi32, #tpu.memory_space<hbm>>
        %dma_wait3A_443 = arith.constant 0 : i32
        %dma_wait3A_444 = tpu.memref_slice %arg3[%add3A, %add3A_439, %dma_wait3A_443] : memref<32x128x80xi32, #tpu.memory_space<hbm>> -> memref<1x1x80xi32, #tpu.memory_space<hbm>>
        %dma_wait3A_445 = tpu.memref_squeeze %dma_wait3A_444 : memref<1x1x80xi32, #tpu.memory_space<hbm>> -> memref<80xi32, #tpu.memory_space<hbm>>
        tpu.wait_dma2 semaphore(%arg37 : memref<!tpu.dma_semaphore, #tpu.memory_space<semaphore_mem>>) src(%dma_wait3A_445 : memref<80xi32, #tpu.memory_space<hbm>>) dst(%arg8 : memref<80xi32, #tpu.memory_space<vmem>>)
        %add3A_446 = arith.constant 2 : i32
        %add3A_447 = arith.addi %add3A_418, %add3A_446 : i32
        %dma_wait3A_448 = arith.constant 0 : i32
        %dma_wait3A_449 = tpu.memref_slice %arg4[%add3A, %add3A_447, %dma_wait3A_448] : memref<32x128x80xi32, #tpu.memory_space<hbm>> -> memref<1x1x80xi32, #tpu.memory_space<hbm>>
        %dma_wait3A_450 = tpu.memref_squeeze %dma_wait3A_449 : memref<1x1x80xi32, #tpu.memory_space<hbm>> -> memref<80xi32, #tpu.memory_space<hbm>>
        %dma_wait3A_451 = arith.constant 0 : i32
        %dma_wait3A_452 = tpu.memref_slice %arg4[%add3A, %add3A_447, %dma_wait3A_451] : memref<32x128x80xi32, #tpu.memory_space<hbm>> -> memref<1x1x80xi32, #tpu.memory_space<hbm>>
        %dma_wait3A_453 = tpu.memref_squeeze %dma_wait3A_452 : memref<1x1x80xi32, #tpu.memory_space<hbm>> -> memref<80xi32, #tpu.memory_space<hbm>>
        tpu.wait_dma2 semaphore(%arg37 : memref<!tpu.dma_semaphore, #tpu.memory_space<semaphore_mem>>) src(%dma_wait3A_453 : memref<80xi32, #tpu.memory_space<hbm>>) dst(%arg16 : memref<80xi32, #tpu.memory_space<vmem>>)
        %dma_start3A_454 = arith.constant 0 : i32
        %dma_start3A_455 = arith.constant 0 : i32
        %dma_start3A_456 = tpu.memref_slice %arg2[%dma_start3A_454, %dma_start3A_455] : memref<10000x128xf32, #tpu.memory_space<hbm>> -> memref<10000x128xf32, #tpu.memory_space<hbm>>
        tpu.enqueue_indirect_dma source(%dma_start3A_456 : memref<10000x128xf32, #tpu.memory_space<hbm>>) target(%arg24 : memref<80x128xf32, #tpu.memory_space<vmem>>) offsets(%arg8 : memref<80xi32, #tpu.memory_space<vmem>>) semaphore(%arg29 : memref<!tpu.dma_semaphore, #tpu.memory_space<semaphore_mem>>)
      } else {
      }
      %dma_wait3A_427 = arith.constant 0 : i32
      %dma_wait3A_428 = arith.constant 0 : i32
      %dma_wait3A_429 = tpu.memref_slice %arg2[%dma_wait3A_427, %dma_wait3A_428] : memref<10000x128xf32, #tpu.memory_space<hbm>> -> memref<10000x128xf32, #tpu.memory_space<hbm>>
      tpu.wait_indirect_dma semaphore(%arg31 : memref<!tpu.dma_semaphore, #tpu.memory_space<semaphore_mem>>) src(%dma_wait3A_429 : memref<10000x128xf32, #tpu.memory_space<hbm>>) dst(%arg26 : memref<80x128xf32, #tpu.memory_space<vmem>>)
      %dma_start3A_430 = arith.constant 0 : i32
      %dma_start3A_431 = arith.constant 0 : i32
      %dma_start3A_432 = tpu.memref_slice %arg27[%dma_start3A_430, %dma_start3A_431] : memref<10240x128xf32, #tpu.memory_space<vmem_shared>> -> memref<10240x128xf32, #tpu.memory_space<vmem_shared>>
      tpu.enqueue_indirect_dma source(%arg26 : memref<80x128xf32, #tpu.memory_space<vmem>>) target(%dma_start3A_432 : memref<10240x128xf32, #tpu.memory_space<vmem_shared>>) offsets(%arg22 : memref<80xi32, #tpu.memory_space<vmem>>) semaphore(%arg35 : memref<!tpu.dma_semaphore, #tpu.memory_space<semaphore_mem>>) {add = true}
      %lt3A_433 = arith.constant 15 : i32
      %lt3A_434 = arith.cmpi slt, %scan3A_125, %lt3A_433 : i32
      %convert_element_type3A_435 = arith.extui %lt3A_434 : i1 to i32
      %cond3A_436 = arith.constant 0 : i32
      %cond3A_437 = arith.cmpi ne, %convert_element_type3A_435, %cond3A_436 : i32
      scf.if %cond3A_437 {
        %add3A_438 = arith.constant 4 : i32
        %add3A_439 = arith.addi %add3A_418, %add3A_438 : i32
        %dma_start3A_440 = arith.constant 0 : i32
        %dma_start3A_441 = tpu.memref_slice %arg3[%add3A, %add3A_439, %dma_start3A_440] : memref<32x128x80xi32, #tpu.memory_space<hbm>> -> memref<1x1x80xi32, #tpu.memory_space<hbm>>
        %dma_start3A_442 = tpu.memref_squeeze %dma_start3A_441 : memref<1x1x80xi32, #tpu.memory_space<hbm>> -> memref<80xi32, #tpu.memory_space<hbm>>
        %dma_start3A_443 = arith.constant 0 : i32
        %dma_start3A_444 = tpu.memref_slice %arg3[%add3A, %add3A_439, %dma_start3A_443] : memref<32x128x80xi32, #tpu.memory_space<hbm>> -> memref<1x1x80xi32, #tpu.memory_space<hbm>>
        %dma_start3A_445 = tpu.memref_squeeze %dma_start3A_444 : memref<1x1x80xi32, #tpu.memory_space<hbm>> -> memref<80xi32, #tpu.memory_space<hbm>>
        tpu.enqueue_dma source(%dma_start3A_445 : memref<80xi32, #tpu.memory_space<hbm>>) target(%arg10 : memref<80xi32, #tpu.memory_space<vmem>>) target_semaphore(%arg39 : memref<!tpu.dma_semaphore, #tpu.memory_space<semaphore_mem>>)
        %add3A_446 = arith.constant 4 : i32
        %add3A_447 = arith.addi %add3A_418, %add3A_446 : i32
        %dma_start3A_448 = arith.constant 0 : i32
        %dma_start3A_449 = tpu.memref_slice %arg4[%add3A, %add3A_447, %dma_start3A_448] : memref<32x128x80xi32, #tpu.memory_space<hbm>> -> memref<1x1x80xi32, #tpu.memory_space<hbm>>
        %dma_start3A_450 = tpu.memref_squeeze %dma_start3A_449 : memref<1x1x80xi32, #tpu.memory_space<hbm>> -> memref<80xi32, #tpu.memory_space<hbm>>
        %dma_start3A_451 = arith.constant 0 : i32
        %dma_start3A_452 = tpu.memref_slice %arg4[%add3A, %add3A_447, %dma_start3A_451] : memref<32x128x80xi32, #tpu.memory_space<hbm>> -> memref<1x1x80xi32, #tpu.memory_space<hbm>>
        %dma_start3A_453 = tpu.memref_squeeze %dma_start3A_452 : memref<1x1x80xi32, #tpu.memory_space<hbm>> -> memref<80xi32, #tpu.memory_space<hbm>>
        tpu.enqueue_dma source(%dma_start3A_453 : memref<80xi32, #tpu.memory_space<hbm>>) target(%arg18 : memref<80xi32, #tpu.memory_space<vmem>>) target_semaphore(%arg39 : memref<!tpu.dma_semaphore, #tpu.memory_space<semaphore_mem>>)
      } else {
      }
    }
    %scan3A_113 = arith.constant 16 : i32
    %dma_wait3A_114 = arith.constant 0 : i32
    %dma_wait3A_115 = arith.constant 0 : i32
    %dma_wait3A_116 = tpu.memref_slice %arg27[%dma_wait3A_114, %dma_wait3A_115] : memref<10240x128xf32, #tpu.memory_space<vmem_shared>> -> memref<10240x128xf32, #tpu.memory_space<vmem_shared>>
    tpu.wait_indirect_dma semaphore(%arg34 : memref<!tpu.dma_semaphore, #tpu.memory_space<semaphore_mem>>) src(%arg25 : memref<80x128xf32, #tpu.memory_space<vmem>>) dst(%dma_wait3A_116 : memref<10240x128xf32, #tpu.memory_space<vmem_shared>>)
    %dma_wait3A_117 = arith.constant 0 : i32
    %dma_wait3A_118 = arith.constant 0 : i32
    %dma_wait3A_119 = tpu.memref_slice %arg27[%dma_wait3A_117, %dma_wait3A_118] : memref<10240x128xf32, #tpu.memory_space<vmem_shared>> -> memref<10240x128xf32, #tpu.memory_space<vmem_shared>>
    tpu.wait_indirect_dma semaphore(%arg35 : memref<!tpu.dma_semaphore, #tpu.memory_space<semaphore_mem>>) src(%arg26 : memref<80x128xf32, #tpu.memory_space<vmem>>) dst(%dma_wait3A_119 : memref<10240x128xf32, #tpu.memory_space<vmem_shared>>)
    %barrier3A_120 = arith.constant 0 : index
    tpu.barrier barrier_id(%barrier3A_120)
    %mul3A_121 = arith.constant 640 : i32
    %mul3A_122 = arith.muli %arg1, %mul3A_121 : i32
    %mul3A_123 = arith.constant 640 : i32
    %mul3A_124 = arith.muli %arg1, %mul3A_123 : i32
    "tpu.region"() ({
      %run_scoped3A = tpu.sem_alloc : memref<!tpu.dma_semaphore, #tpu.memory_space<semaphore_mem>>
      %dma_start3A_125 = arith.constant 0 : i32
      %dma_start3A_126 = tpu.memref_slice %arg6[%arg0, %mul3A_124, %dma_start3A_125] : memref<2x10240x128xf32, #tpu.memory_space<hbm>> -> memref<1x640x128xf32, #tpu.memory_space<hbm>>
      %dma_start3A_127 = tpu.memref_squeeze %dma_start3A_126 : memref<1x640x128xf32, #tpu.memory_space<hbm>> -> memref<640x128xf32, #tpu.memory_space<hbm>>
      %dma_start3A_128 = arith.constant 0 : i32
      %dma_start3A_129 = tpu.memref_slice %arg27[%mul3A_122, %dma_start3A_128] : memref<10240x128xf32, #tpu.memory_space<vmem_shared>> -> memref<640x128xf32, #tpu.memory_space<vmem_shared>>
      tpu.enqueue_dma source(%dma_start3A_129 : memref<640x128xf32, #tpu.memory_space<vmem_shared>>) target(%dma_start3A_127 : memref<640x128xf32, #tpu.memory_space<hbm>>) target_semaphore(%run_scoped3A : memref<!tpu.dma_semaphore, #tpu.memory_space<semaphore_mem>>)
      %dma_wait3A_130 = arith.constant 0 : i32
      %dma_wait3A_131 = tpu.memref_slice %arg6[%arg0, %mul3A_124, %dma_wait3A_130] : memref<2x10240x128xf32, #tpu.memory_space<hbm>> -> memref<1x640x128xf32, #tpu.memory_space<hbm>>
      %dma_wait3A_132 = tpu.memref_squeeze %dma_wait3A_131 : memref<1x640x128xf32, #tpu.memory_space<hbm>> -> memref<640x128xf32, #tpu.memory_space<hbm>>
      %dma_wait3A_133 = arith.constant 0 : i32
      %dma_wait3A_134 = tpu.memref_slice %arg27[%mul3A_122, %dma_wait3A_133] : memref<10240x128xf32, #tpu.memory_space<vmem_shared>> -> memref<640x128xf32, #tpu.memory_space<vmem_shared>>
      tpu.wait_dma2 semaphore(%run_scoped3A : memref<!tpu.dma_semaphore, #tpu.memory_space<semaphore_mem>>) src(%dma_wait3A_134 : memref<640x128xf32, #tpu.memory_space<vmem_shared>>) dst(%dma_wait3A_132 : memref<640x128xf32, #tpu.memory_space<hbm>>)
      tpu.yield
    }) : () -> ()
    return
  }
}

module attributes {stable_mosaic.version = 14 : i64} {
  func.func @_mlp_body(%arg0: i32, %arg1: memref<2000x128xf32, #tpu.memory_space<vmem>>, %arg2: memref<2000x128xf32, #tpu.memory_space<vmem>>, %arg3: memref<2000x128xf32, #tpu.memory_space<vmem>>, %arg4: memref<128x256xf32, #tpu.memory_space<vmem>>, %arg5: memref<1x256xf32, #tpu.memory_space<vmem>>, %arg6: memref<256x128xf32, #tpu.memory_space<vmem>>, %arg7: memref<1x128xf32, #tpu.memory_space<vmem>>, %arg8: memref<2000x128xf32, #tpu.memory_space<vmem>>) attributes {dimension_semantics = [#tpu.dimension_semantics<arbitrary>], iteration_bounds = array<i64: 5>, scalar_prefetch = 0 : i64, scratch_operands = 0 : i64, tpu.core_type = #tpu.core_type<tc>, window_params = [{transform_indices = @transform_0, window_bounds = array<i64: 2000, 128>}, {transform_indices = @transform_1, window_bounds = array<i64: 2000, 128>}, {transform_indices = @transform_2, window_bounds = array<i64: 2000, 128>}, {pipeline_mode = #tpu.pipeline_mode<synchronous>, transform_indices = @transform_3, window_bounds = array<i64: 128, 256>}, {pipeline_mode = #tpu.pipeline_mode<synchronous>, transform_indices = @transform_4, window_bounds = array<i64: 1, 256>}, {pipeline_mode = #tpu.pipeline_mode<synchronous>, transform_indices = @transform_5, window_bounds = array<i64: 256, 128>}, {pipeline_mode = #tpu.pipeline_mode<synchronous>, transform_indices = @transform_6, window_bounds = array<i64: 1, 128>}, {transform_indices = @transform_7, window_bounds = array<i64: 2000, 128>}]} {
    %get3A = arith.constant 0 : index
    %get3A_0 = arith.constant 0 : index
    %get3A_1 = vector.load %arg1[%get3A, %get3A_0] : memref<2000x128xf32, #tpu.memory_space<vmem>>, vector<2000x128xf32>
    %get3A_2 = arith.constant 0 : index
    %get3A_3 = arith.constant 0 : index
    %get3A_4 = vector.load %arg2[%get3A_2, %get3A_3] : memref<2000x128xf32, #tpu.memory_space<vmem>>, vector<2000x128xf32>
    %add3A = arith.addf %get3A_1, %get3A_4 : vector<2000x128xf32>
    %get3A_5 = arith.constant 0 : index
    %get3A_6 = arith.constant 0 : index
    %get3A_7 = vector.load %arg3[%get3A_5, %get3A_6] : memref<2000x128xf32, #tpu.memory_space<vmem>>, vector<2000x128xf32>
    %add3A_8 = arith.addf %add3A, %get3A_7 : vector<2000x128xf32>
    %get3A_9 = arith.constant 0 : index
    %get3A_10 = arith.constant 0 : index
    %get3A_11 = vector.load %arg4[%get3A_9, %get3A_10] : memref<128x256xf32, #tpu.memory_space<vmem>>, vector<128x256xf32>
    %dot_general3A = arith.constant dense<0.000000e+00> : vector<2000x256xf32>
    %dot_general3A_12 = tpu.matmul %add3A_8, %get3A_11, %dot_general3A {dimension_numbers = #tpu.dot_dimension_numbers<[1], [0], [0], [1], [0, 0, 1, 1], [], []>, transpose_lhs_hint = false} : vector<2000x128xf32>, vector<128x256xf32>, vector<2000x256xf32> -> vector<2000x256xf32>
    %get3A_13 = arith.constant 0 : index
    %get3A_14 = arith.constant 0 : index
    %get3A_15 = vector.load %arg5[%get3A_13, %get3A_14] : memref<1x256xf32, #tpu.memory_space<vmem>>, vector<1x256xf32>
    %add3A_16 = vector.broadcast %get3A_15 : vector<1x256xf32> to vector<2000x256xf32>
    %add3A_17 = arith.addf %dot_general3A_12, %add3A_16 : vector<2000x256xf32>
    %max3A = arith.constant 0.000000e+00 : f32
    %max3A_18 = vector.broadcast %max3A : f32 to vector<2000x256xf32>
    %max3A_19 = arith.maximumf %add3A_17, %max3A_18 : vector<2000x256xf32>
    %get3A_20 = arith.constant 0 : index
    %get3A_21 = arith.constant 0 : index
    %get3A_22 = vector.load %arg6[%get3A_20, %get3A_21] : memref<256x128xf32, #tpu.memory_space<vmem>>, vector<256x128xf32>
    %dot_general3A_23 = arith.constant dense<0.000000e+00> : vector<2000x128xf32>
    %dot_general3A_24 = tpu.matmul %max3A_19, %get3A_22, %dot_general3A_23 {dimension_numbers = #tpu.dot_dimension_numbers<[1], [0], [0], [1], [0, 0, 1, 1], [], []>, transpose_lhs_hint = false} : vector<2000x256xf32>, vector<256x128xf32>, vector<2000x128xf32> -> vector<2000x128xf32>
    %get3A_25 = arith.constant 0 : index
    %get3A_26 = arith.constant 0 : index
    %get3A_27 = vector.load %arg7[%get3A_25, %get3A_26] : memref<1x128xf32, #tpu.memory_space<vmem>>, vector<1x128xf32>
    %add3A_28 = vector.broadcast %get3A_27 : vector<1x128xf32> to vector<2000x128xf32>
    %add3A_29 = arith.addf %dot_general3A_24, %add3A_28 : vector<2000x128xf32>
    %swap3A = arith.constant 0 : index
    %swap3A_30 = arith.constant 0 : index
    %swap3A_31 = vector.load %arg8[%swap3A, %swap3A_30] : memref<2000x128xf32, #tpu.memory_space<vmem>>, vector<2000x128xf32>
    tpu.vector_store %arg8[%swap3A, %swap3A_30], %add3A_29 {strides = array<i32>} : memref<2000x128xf32, #tpu.memory_space<vmem>>, vector<2000x128xf32>,
    return
  }
  func.func @transform_0(%arg0: i32) -> (i32, i32) {
    %c0_i32 = arith.constant 0 : i32
    %c0_i32_0 = arith.constant 0 : i32
    return %arg0, %c0_i32 : i32, i32
  }
  func.func @transform_1(%arg0: i32) -> (i32, i32) {
    %c0_i32 = arith.constant 0 : i32
    %c0_i32_0 = arith.constant 0 : i32
    return %arg0, %c0_i32 : i32, i32
  }
  func.func @transform_2(%arg0: i32) -> (i32, i32) {
    %c0_i32 = arith.constant 0 : i32
    %c0_i32_0 = arith.constant 0 : i32
    return %arg0, %c0_i32 : i32, i32
  }
  func.func @transform_3(%arg0: i32) -> (i32, i32) {
    %c0_i32 = arith.constant 0 : i32
    %c0_i32_0 = arith.constant 0 : i32
    %c0_i32_1 = arith.constant 0 : i32
    return %c0_i32, %c0_i32_0 : i32, i32
  }
  func.func @transform_4(%arg0: i32) -> (i32, i32) {
    %c0_i32 = arith.constant 0 : i32
    %c0_i32_0 = arith.constant 0 : i32
    %c0_i32_1 = arith.constant 0 : i32
    return %c0_i32, %c0_i32_0 : i32, i32
  }
  func.func @transform_5(%arg0: i32) -> (i32, i32) {
    %c0_i32 = arith.constant 0 : i32
    %c0_i32_0 = arith.constant 0 : i32
    %c0_i32_1 = arith.constant 0 : i32
    return %c0_i32, %c0_i32_0 : i32, i32
  }
  func.func @transform_6(%arg0: i32) -> (i32, i32) {
    %c0_i32 = arith.constant 0 : i32
    %c0_i32_0 = arith.constant 0 : i32
    %c0_i32_1 = arith.constant 0 : i32
    return %c0_i32, %c0_i32_0 : i32, i32
  }
  func.func @transform_7(%arg0: i32) -> (i32, i32) {
    %c0_i32 = arith.constant 0 : i32
    %c0_i32_0 = arith.constant 0 : i32
    return %arg0, %c0_i32 : i32, i32
  }
}

</mosaic_0001>

<sc_bundles>
// kernel: kernel.4.cloned.1.call-start
scs
__scs_entry_jumppad:
0x0: {  	(pc) =	sbr.rel $0x88, $3  }
0x1: {  	(tag) =	ssettag $0x0;
	lr =	simm.s32 $0x1  }
0x2: {  	[smem:$0x3F9B] =	sst lr;
	_ =	strace $0xD0000000  }
0x3: {  	_ = 	snop  }
0x4: {  	_ = 	snop  }
0x5: {  	_ = 	snop  }
0x6: {  	_ = 	snop  }
0x7: {  	_ = 	snop  }
__scs_overlays_trampoline_lowered:
0x8: {  	[smem:$0x3FAA] =	sst s0  }
0x9: {  	[smem:$0x3FAB] =	sst s1  }
0xa: {  	[smem:$0x3FAC] =	sst s2  }
0xb: {  	[smem:$0x3FAD] =	sst s3  }
0xc: {  	[smem:$0x3FAE] =	sst s4  }
0xd: {  	[smem:$0x3FAF] =	sst s5  }
0xe: {  	[smem:$0x3FB0] =	sst s6  }
0xf: {  	[smem:$0x3FB1] =	sst s7  }
0x10: {  	[smem:$0x3FB2] =	sst s8  }
0x11: {  	[smem:$0x3FB3] =	sst s9;
	s0 =	simm.s32 @!p0 $0x0  }
0x12: {  	s1 =	sld [smem:$0x3F99];
	s0 =	simm.s32 @p0 $0x1  }
0x13: {  	[smem:$0x3FB4] =	sst s0;
	s0 =	simm.s32 @!p1 $0x0  }
0x14: {  	s2 =	sld [smem:$0x3F98];
	s0 =	simm.s32 @p1 $0x1  }
0x15: {  	[smem:$0x3FB5] =	sst s0;
	s0 =	simm.s32 @!p2 $0x0  }
0x16: {  	s3 =	sld [smem:$0x3FDB];
	s0 =	simm.s32 @p2 $0x1  }
0x17: {  	s4 =	simm.s32 $0x1BF5;
	[smem:$0x3FB7] =	sst s0  }
0x18: {  	s0 =	sld [smem:$0x3F9A];
	_ =	swait.ge [sflag:s4], $0x0  }
0x19: {  	s7 =	sld [smem:$0x3F9B]  }
0x1a: {  	s8 =	sadd.s32 $0xFFFFE003, lr  }
0x1b: {  	s9 =	sadd.s32 $0xFFFFFEF7, lr;
	s5 =	simm.s32 $0xFFFFFFFF;
	p2 =	slt.u32 s8, $0xFFFFF086  }
0x1c: {  	p1 =	slt.u32 s9, $0xF7A;
	s5 =	simm.s32 @!p2 $0x0  }
0x1d: {  	s5 =	simm.s32 @p1 $0x1;
	p0 =	seq.s32 s7, s2  }
0x1e: {  	s7 =	smul.u32 @!p0 $0xF7A, s2;
	p2 =	seq.s32 @!p0 s5, $0x0  }
0x1f: {  	s9 =	smul.u32 $0xF7A, s1;
	s8 =	simm.s32 @!p0 $0x1BF5;
	p2 =	por !p2, p0  }
0x20: {  	[sflag:s8] =	ssyncset.s32 @!p0 $0xFFFFF086;
	s6 =	sadd.s32 @!p0 s3, s7;
	s7 =	simm.s32 @!p0 $0x108  }
0x21: {  	s3 =	sadd.s32 s3, s9;
	s6 =	sadd.s32 @!p0 $0x88, s6;
	s7 =	simm.s32 @p2 $0x1082  }
0x22: {  	[simem:s7], [sflag:s8] =	dma.local @!p0 [hbm:s6], $0xF7A  }
0x23: {  	s9 =	sor.u32 $0xD0000000, s2;
	s6 =	simm.s32 $0x108;
	_ =	swait.ge @!p0 [sflag:s8], $0x0  }
0x24: {  	s3 =	sadd.s32 $0x88, s3;
	s6 =	simm.s32 @!p1 $0x1082;
	[sflag:s4] =	ssyncset.s32 $0xFFFFF086  }
0x25: {  	[simem:s6], [sflag:s4] =	dma.local [hbm:s3], $0xF7A  }
0x26: {  	[smem:$0x3F9B] =	sst s1;
	(tag) =	ssettag s2;
	_ =	strace s9  }
0x27: {  	s1 =	sld [smem:$0x3FAB]  }
0x28: {  	s2 =	sld [smem:$0x3FAC]  }
0x29: {  	s4 =	sld [smem:$0x3FAE]  }
0x2a: {  	p0 =	seq.s32 s5, $0x0;
	s5 =	sld [smem:$0x3FAF]  }
0x2b: {  	s6 =	sld [smem:$0x3FB0]  }
0x2c: {  	s7 =	sld [smem:$0x3FB1]  }
0x2d: {  	s3 =	simm.s32 $0x108;
	s8 =	sld [smem:$0x3FB2]  }
0x2e: {  	s3 =	simm.s32 @!p0 $0x1082;
	s9 =	sld [smem:$0x3FB3]  }
0x2f: {  	lr =	sadd.s32 s0, s3;
	s0 =	sld [smem:$0x3FAA]  }
0x30: {  	s3 =	sld [smem:$0x3FAD]  }
0x31: {  	[smem:$0x3FB6] =	sst s10  }
0x32: {  	s10 =	sld [smem:$0x3FB4];
	_ =	sdelay $0x3  }
0x33: {  	p0 =	seq.s32 s10, $0x1;
	s10 =	sld [smem:$0x3FB6];
	_ =	sdelay $0x3  }
0x34: {  	[smem:$0x3FB6] =	sst s10  }
0x35: {  	s10 =	sld [smem:$0x3FB5];
	_ =	sdelay $0x3  }
0x36: {  	p1 =	seq.s32 s10, $0x1;
	s10 =	sld [smem:$0x3FB6];
	_ =	sdelay $0x3  }
0x37: {  	[smem:$0x3FB6] =	sst s10  }
0x38: {  	s10 =	sld [smem:$0x3FB7]  }
0x39: {  	_ = 	snop;
	(pc) =	sbr.ind lr, $3  }
0x3a: {  	_ = 	snop  }
0x3b: {  	_ = 	snop  }
0x3c: {  	p2 =	seq.s32 s10, $0x1;
	s10 =	sld [smem:$0x3FB6]  }
0x3d: {  	_ =	shalt  }
0x3e: {  	_ =	shalt  }
0x3f: {  	_ =	shalt  }
0x40: {  	_ =	shalt  }
0x41: {  	_ =	shalt  }
0x42: {  	_ =	shalt  }
0x43: {  	_ =	shalt  }
0x44: {  	_ =	shalt  }
0x45: {  	_ =	shalt  }
0x46: {  	_ =	shalt  }
0x47: {  	_ =	shalt  }
0x48: {  	_ =	shalt  }
0x49: {  	_ =	shalt  }
0x4a: {  	_ =	shalt  }
0x4b: {  	_ =	shalt  }
0x4c: {  	_ =	shalt  }
0x4d: {  	_ =	shalt  }
0x4e: {  	_ =	shalt  }
0x4f: {  	_ =	shalt  }
0x50: {  	_ =	shalt  }
0x51: {  	_ =	shalt  }
0x52: {  	_ =	shalt  }
0x53: {  	_ =	shalt  }
0x54: {  	_ =	shalt  }
0x55: {  	_ =	shalt  }
0x56: {  	_ =	shalt  }
0x57: {  	_ =	shalt  }
0x58: {  	_ =	shalt  }
0x59: {  	_ =	shalt  }
0x5a: {  	_ =	shalt  }
0x5b: {  	_ =	shalt  }
0x5c: {  	_ =	shalt  }
0x5d: {  	_ =	shalt  }
0x5e: {  	_ =	shalt  }
0x5f: {  	_ =	shalt  }
0x60: {  	_ =	shalt  }
0x61: {  	_ =	shalt  }
0x62: {  	_ =	shalt  }
0x63: {  	_ =	shalt  }
0x64: {  	_ =	shalt  }
0x65: {  	_ =	shalt  }
0x66: {  	_ =	shalt  }
0x67: {  	_ =	shalt  }
0x68: {  	_ =	shalt  }
0x69: {  	_ =	shalt  }
0x6a: {  	_ =	shalt  }
0x6b: {  	_ =	shalt  }
0x6c: {  	_ =	shalt  }
0x6d: {  	_ =	shalt  }
0x6e: {  	_ =	shalt  }
0x6f: {  	_ =	shalt  }
0x70: {  	_ =	shalt  }
0x71: {  	_ =	shalt  }
0x72: {  	_ =	shalt  }
0x73: {  	_ =	shalt  }
0x74: {  	_ =	shalt  }
0x75: {  	_ =	shalt  }
0x76: {  	_ =	shalt  }
0x77: {  	_ =	shalt  }
0x78: {  	_ =	shalt  }
0x79: {  	_ =	shalt  }
0x7a: {  	_ =	shalt  }
0x7b: {  	_ =	shalt  }
0x7c: {  	_ =	shalt  }
0x7d: {  	_ =	shalt  }
0x7e: {  	_ =	shalt  }
0x7f: {  	_ =	shalt  }
0x80: {  	_ =	shalt  }
0x81: {  	_ =	shalt  }
0x82: {  	_ =	shalt  }
0x83: {  	_ =	shalt  }
0x84: {  	_ =	shalt  }
0x85: {  	_ =	shalt  }
0x86: {  	_ =	shalt  }
0x87: {  	_ =	shalt  }
.Lfunc_end0:
.L_simem_size_0:
called_computation_lowered:
.L_overlay_start_0:
0x88: {  	s2 =	sld [smem:$0x3FD9]  }
0x89: {  	s3 =	sld [smem:$0x3FFE];
	_ =	sdelay $0x1  }
0x8a: {  	s1 =	srdreg.scid  }
0x8b: {  	s0 =	sand.u32 $0x1, s1  }
0x8c: {  	s17 =	sshll.u32 s0, $0xA;
	s2 =	sadd.s32 s3, s2  }
0x8d: {  	s2 =	sadd.s32 s2, s17  }
0x8e: {  	[smem:$0x3FC2] =	sst s2  }
0x8f: {  	_ = 	snop  }
0x90: {  	s2 =	sld [smem:$0x3FC9]  }
0x91: {  	s18 =	sld [smem:$0x3FD0];
	(tm) =	ssettm $0x1  }
0x92: {  	s4 =	sld [smem:$0x3FFB];
	_ =	sdelay $0x3  }
0x93: {  	_ =	strace s4  }
0x94: {  	s4 =	sld [smem:$0x3FFC];
	_ =	sdelay $0x3  }
0x95: {  	_ =	strace s4  }
0x96: {  	s4 =	sld [smem:$0x3FFD];
	_ =	sdelay $0x3  }
0x97: {  	_ =	strace s4  }
0x98: {  	_ =	strace $0x8FFFFFFF  }
0x99: {  	s19 =	sld [smem:$0x3FDB];
	_ =	sdelay $0x1  }
0x9a: {  	s5 =	simm.s32 $_scs_section_size  }
0x9b: {  	s6 =	simm.s32 $_size__tile_overlayer_lowered;
	s7 =	simm.s32 $_tile_overlayer_lowered  }
0x9c: {  	s22 =	simm.s32 $0x1BFF;
	s21 =	sshll.u32 s7, $0x1;
	s4 =	sadd.s32 s5, s19  }
0x9d: {  	s8 =	simm.s32 $0x0;
	s20 =	sshll.u32 s6, $0x1;
	s6 =	sadd.s32 s21, s4  }
0x9e: {  	[timem:s8], [sflag:s22] =	dma.local [hbm:s6], s20  }
0x9f: {  	_ =	swait.ge [sflag:s22], s20  }
0xa0: {  	s5 =	ssub.s32 $0x0, s20;
	[sflag:s22] =	ssyncset.done $0x0  }
0xa1: {  	[sflag:s22] =	ssyncadd.s32 s5;
	_ =	sdelay $0x1  }
0xa2: {  	s23 =	simm.s32 $0x1B8B  }
0xa3: {  	_ =	swait.ge [sflag:s23], $0x1  }
0xa4: {  	[sflag:s23] =	ssyncset.done $0x0  }
0xa5: {  	s25 =	simm.s32 $0x1B8E;
	s24 =	sld [smem:$0x3FFE];
	[sflag:s23] =	ssyncadd.s32 $0xFFFFFFFF  }
0xa6: {  	s26 =	simm.s32 $execute0_lowered;
	[smem:$0x3FD2] =	sst s25  }
0xa7: {  	s6 =	sshll.u32 s26, $0x1;
	_ =	strace $0x80000046;
	[dreg:$0x1] =	wrdreg $0xFFFFFFFF  }
0xa8: {  	s28 =	simm.s32 $_size_execute0_lowered;
	s4 =	sadd.s32 s4, s6;
	[dreg:$0x0] =	wrdreg $0x0  }
0xa9: {  	s6 =	sshll.u32 s28, $0x1;
	[dreg:$0x2] =	wrdreg s4  }
0xaa: {  	[dreg:$0x3] =	wrdreg s6  }
0xab: {  	[dreg:$0x4] =	wrdreg $0xC0  }
0xac: {  	_ =	task [dreg:s8], $0x5FFFF  }
0xad: {  	[dreg:$0x1] =	wrdreg $0xFFFFFFFF  }
0xae: {  	[dreg:$0x0] =	wrdreg $0x60  }
0xaf: {  	[dreg:$0x2] =	wrdreg s2  }
0xb0: {  	[dreg:$0x3] =	wrdreg s18  }
0xb1: {  	[dreg:$0x4] =	wrdreg s24  }
0xb2: {  	[dreg:$0x5] =	wrdreg $0xA8000  }
0xb3: {  	[dreg:$0x6] =	wrdreg $0x9  }
0xb4: {  	_ =	task.clear_ibuf [dreg:s8], $0x7FFFF;
	_ =	strace $0x90000046  }
0xb5: {  	s29 =	simm.s32 $0x9;
	_ =	strace $0x80000048  }
0xb6: {  	_ =	swait.ge [sflag:s29], $0x1  }
0xb7: {  	[sflag:s29] =	ssyncadd.s32 $0xFFFFFFFF  }
0xb8: {  	_ =	strace $0x90000048  }
0xb9: {  	_ =	sfence  }
0xba: {  	s30 =	sld [smem:$0x0];
	_ =	sdelay $0x2  }
0xbb: {  	s31 =	sshll.u32 s1, $0xD;
	s1 =	sshrl.u32 s1, $0x2  }
0xbc: {  	s3 =	sand.u32 $0x4000, s31;
	s1 =	sadd.s32 s1, s30  }
0xbd: {  	s0 =	sor.u32 s3, s0;
	s1 =	sshll.u32 s1, $0x11  }
0xbe: {  	s0 =	sor.u32 s1, s0  }
0xbf: {  	s0 =	sadd.s32 $0x8F2B, s0  }
0xc0: {  	[sflag:s0] =	ssyncadd.remote.s32 $0x1  }
0xc1: {  	_ =	sfence.sel $0xFFFF  }
0xc2: {  	[dreg:$0x0] =	wrdreg $0xFFFFFFFF;
	(pc) =	sbr.abs _section_cstart, $3  }
0xc3: {  	[dreg:$0x1] =	wrdreg $0xFFFFFFFF  }
0xc4: {  	_ =	task.clear_ibuf [dreg:s8], $0x2FFFF;
	_ =	strace $0x9FFFFFFF  }
0xc5: {  	(tm) =	ssettm $0x7FFFFFFF  }
tec
execute0_lowered:
.L_overlay_start_1:
0x0: {  	(tag) =	ssettag $0x1  }
0x1: {  	s1 =	rddreg [dreg:$0x0]  }
0x2: {  	s0 =	rddreg [dreg:$0x1]  }
0x3: {  	s3 =	rddreg [dreg:$0x2]  }
0x4: {  	s2 =	rddreg [dreg:$0x3];
	s4 =	srdreg.scid  }
0x5: {  	s11 =	stileid.u32;
	s30 =	simm.s32 $0x180;
	s28 =	simm.s32 $0xE  }
0x6: {  	s29 =	simm.s32 $0x4;
	s31 =	simm.s32 $0xF;
	s5 =	sand.u32 $0x1, s4  }
0x7: {  	s4 =	simm.s32 $0x0;
	s7 =	smul.u32 $0x14000, s11;
	s8 =	sadd.s32 $0xE00, s3  }
0x8: {  	s9 =	smul.u32 $0x50000, s11;
	s10 =	sadd.s32 $0x10E00, s3;
	s21 =	sshll.u32 s11, $0x6  }
0x9: {  	s22 =	sshll.u32 s11, $0xF;
	s6 =	smul.u32 $0x140000, s5;
	[smem:$0x7FF] =	sst s4  }
0xa: {  	s19 =	ssub.s32 $0x2, s5;
	s5 =	sshll.u32 s5, $0xE;
	_ =	strace $0x80000047  }
0xb: {  	[dreg:$0x5] =	wrdreg s10;
	s20 =	sshrl.u32 s19, $0x1;
	s9 =	sshrl.u32 s9, $0x2  }
0xc: {  	s5 =	sor.u32 s5, s22;
	s6 =	sadd.s32 s7, s6;
	s12 =	sadd.s32 s9, s2  }
0xd: {  	s25 =	sshrl.u32 s5, $0x3;
	s5 =	sor.u32 $0x400, s5;
	s9 =	simm.s32 $0x700  }
0xe: {  	s6 =	sshrl.u32 s6, $0x3;
	s23 =	sadd.s32 $0x4000, s12;
	s24 =	sadd.s32 $0x8000, s12  }
0xf: {  	s10 =	sadd.s32 $0xC000, s12;
	[dreg:$0x6] =	wrdreg s12;
	s12 =	sadd.s32 $0x10000, s12  }
0x10: {  	s13 =	sadd.s32 s25, s0;
	s26 =	sor.u32 $0x10, s25;
	s14 =	sadd.s32 s25, s8  }
0x11: {  	s16 =	sor.u32 $0x20, s25;
	s11 =	sor.u32 $0x30, s25;
	s3 =	sadd.s32 s6, s3  }
0x12: {  	s6 =	ssub.s32 s19, s20;
	s20 =	sor.u32 $0x1C11, s21;
	[dreg:$0x8] =	wrdreg s13  }
0x13: {  	[dreg:$0x9] =	wrdreg s14;
	s15 =	sadd.s32 s0, s26;
	s13 =	sadd.s32 s8, s26  }
0x14: {  	s17 =	sadd.s32 s0, s16;
	s18 =	sadd.s32 s8, s16;
	[dreg:$0xa] =	wrdreg s15  }
0x15: {  	s19 =	sadd.s32 s0, s11;
	s11 =	sadd.s32 s8, s11;
	[dreg:$0xb] =	wrdreg s13  }
0x16: {  	s21 =	sshrl.u32 s5, $0x3;
	s23 =	sshrl.u32 s23, $0x3;
	[dreg:$0xc] =	wrdreg s17  }
0x17: {  	s24 =	sshrl.u32 s24, $0x3;
	s25 =	sshrl.u32 s10, $0x3;
	[dreg:$0xd] =	wrdreg s18  }
0x18: {  	s26 =	sshrl.u32 s12, $0x3;
	s10 =	simm.s32 $0x50;
	[dreg:$0xe] =	wrdreg s19  }
0x19: {  	s14 =	simm.s32 $0xB;
	s16 =	simm.s32 $0x1;
	[dreg:$0xf] =	wrdreg s11  }
0x1a: {  	s12 =	simm.s32 $0xD;
	s5 =	simm.s32 $0x3;
	[dreg:$0x12] =	wrdreg s23  }
0x1b: {  	s3 =	sadd.s32 $0x11600, s3;
	s22 =	smax.u32 s6, $0x1;
	[dreg:$0x13] =	wrdreg s24  }
0x1c: {  	s18 =	sadd.s32 s21, s0;
	s19 =	sadd.s32 s21, s8;
	[dreg:$0x14] =	wrdreg s25  }
.Ltmp0:
0x1d: {  	s8 =	simm.s32 $0x11;
	[dreg:$0x15] =	wrdreg s26;
	(pc) =	sbr.rel .LBB2_1-.Ltmp0, $4  }
0x1e: {  	s11 =	simm.s32 $0x580;
	s25 =	simm.s32 $0x3000;
	s15 =	simm.s32 $0x5800  }
0x1f: {  	s26 =	simm.s32 $0xC;
	s23 =	simm.s32 $0x2;
	[dreg:$0x7] =	wrdreg s20  }
0x20: {  	s17 =	simm.s32 $0x10;
	s0 =	simm.s32 $0x0;
	[dreg:$0x10] =	wrdreg s3  }
0x21: {  	[dreg:$0x11] =	wrdreg s22;
	s3 =	simm.s32 $0x800;
	s22 =	simm.s32 $0x8000  }
.LBB2_4:
0x22: {  	s0 =	simm.s32 $0x7  }
0x23: {  	_ =	swait.ge [sflag:s0], $0x2800  }
0x24: {  	[sflag:s0] =	ssyncset.done $0x0  }
0x25: {  	s11 =	simm.s32 $0x8;
	[sflag:s0] =	ssyncadd.s32 $0xFFFFD800  }
0x26: {  	_ =	swait.ge [sflag:s11], $0x2800  }
0x27: {  	[sflag:s11] =	ssyncset.done $0x0  }
0x28: {  	[sflag:s11] =	ssyncadd.s32 $0xFFFFD800  }
0x29: {  	[bflag:$0x0] =	sbarrier.arrive $0xFFFF  }
0x2a: {  	s20 =	rddreg [dreg:$0x7]  }
0x2b: {  	s6 =	rddreg [dreg:$0x10]  }
0x2c: {  	s8 =	simm.s32 $0x11;
	s13 =	rddreg [dreg:$0x17]  }
0x2d: {  	[hbm:s6], [sflag:s20] =	dma.local [spmem:s13], $0x2800  }
0x2e: {  	_ =	swait.ge [sflag:s8], $0x2800  }
0x2f: {  	s21 =	rddreg [dreg:$0x16]  }
0x30: {  	s24 =	rddreg [dreg:$0x11];
	s0 =	sadd.s32 $0x1, s21  }
0x31: {  	p0 =	sne.s32 s0, s24  }
.Ltmp1:
0x32: {  	_ = 	snop;
	(pc) =	sbr.rel @!p0 .LBB2_5-.Ltmp1, $3  }
0x33: {  	_ =	sdelay $0x1  }
0x34: {  	[sflag:s8] =	ssyncset.done $0x0  }
0x35: {  	s30 =	simm.s32 $0x180;
	s11 =	simm.s32 $0x580;
	[sflag:s8] =	ssyncadd.s32 $0xFFFFD800  }
.LBB2_1:
0x36: {  	[dreg:$0x16] =	wrdreg s0  }
0x37: {  	s6 =	rddreg [dreg:$0x6]  }
0x38: {  	s21 =	rddreg [dreg:$0x5];
	s13 =	sshrl.u32 s6, $0x3  }
0x39: {  	[dreg:$0x17] =	wrdreg s13  }
0x3a: {  	[spmem:s13], [sflag:s20] =	dma.local [hbm:s21], $0x800  }
0x3b: {  	_ =	swait.ge [sflag:s8], $0x800  }
0x3c: {  	[sflag:s8] =	ssyncset.done $0x0  }
0x3d: {  	s7 =	rddreg [dreg:$0x12];
	[sflag:s8] =	ssyncadd.s32 $0xFFFFF800  }
0x3e: {  	[spmem:s7], [sflag:s20] =	dma.local [hbm:s21], $0x800  }
0x3f: {  	_ =	swait.ge [sflag:s8], $0x800  }
0x40: {  	[sflag:s8] =	ssyncset.done $0x0  }
0x41: {  	s24 =	rddreg [dreg:$0x13];
	[sflag:s8] =	ssyncadd.s32 $0xFFFFF800  }
0x42: {  	[spmem:s24], [sflag:s20] =	dma.local [hbm:s21], $0x800  }
0x43: {  	_ =	swait.ge [sflag:s8], $0x800  }
0x44: {  	[sflag:s8] =	ssyncset.done $0x0  }
0x45: {  	s0 =	rddreg [dreg:$0x14];
	[sflag:s8] =	ssyncadd.s32 $0xFFFFF800  }
0x46: {  	[spmem:s0], [sflag:s20] =	dma.local [hbm:s21], $0x800  }
0x47: {  	_ =	swait.ge [sflag:s8], $0x800  }
0x48: {  	[sflag:s8] =	ssyncset.done $0x0  }
0x49: {  	s13 =	rddreg [dreg:$0x15];
	[sflag:s8] =	ssyncadd.s32 $0xFFFFF800  }
0x4a: {  	[spmem:s13], [sflag:s20] =	dma.local [hbm:s21], $0x800  }
0x4b: {  	_ =	swait.ge [sflag:s8], $0x800  }
0x4c: {  	[sflag:s8] =	ssyncset.done $0x0  }
0x4d: {  	[sflag:s8] =	ssyncadd.s32 $0xFFFFF800  }
0x4e: {  	[bflag:$0x0] =	sbarrier.arrive $0xFFFF  }
0x4f: {  	s20 =	rddreg [dreg:$0x8]  }
0x50: {  	[tilespmem:s4], [sflag:$0x9] =	stream.linear.gather [hbm4b:s20+s4], $0x80, $0x38;
	[tilespmem:$0x1E800] =	vst v63  }
0x51: {  	s24 =	simm.s32 $0x400;
	s21 =	rddreg [dreg:$0x9]  }
0x52: {  	[tilespmem:s24], [sflag:$0x9] =	stream.linear.gather [hbm4b:s21+s4], $0x80, $0x38;
	[tilespmem:$0x1E800] =	vst v63  }
0x53: {  	s7 =	simm.s32 $0x80;
	s0 =	rddreg [dreg:$0xa]  }
0x54: {  	[tilespmem:s7], [sflag:$0xA] =	stream.linear.gather [hbm4b:s0+s4], $0x80, $0x38;
	[tilespmem:$0x1E800] =	vst v63  }
0x55: {  	s13 =	simm.s32 $0x480;
	s8 =	rddreg [dreg:$0xb]  }
0x56: {  	[tilespmem:s13], [sflag:$0xA] =	stream.linear.gather [hbm4b:s8+s4], $0x80, $0x38;
	[tilespmem:$0x1E800] =	vst v63  }
0x57: {  	s20 =	rddreg [dreg:$0xc];
	s21 =	simm.s32 $0x100  }
0x58: {  	[tilespmem:s21], [sflag:$0xB] =	stream.linear.gather [hbm4b:s20+s4], $0x80, $0x38;
	[tilespmem:$0x1E800] =	vst v63  }
0x59: {  	s24 =	rddreg [dreg:$0xd];
	s0 =	simm.s32 $0x500  }
0x5a: {  	[tilespmem:s0], [sflag:$0xB] =	stream.linear.gather [hbm4b:s24+s4], $0x80, $0x38;
	[tilespmem:$0x1E800] =	vst v63  }
0x5b: {  	s13 =	rddreg [dreg:$0xe]  }
0x5c: {  	[tilespmem:s30], [sflag:$0xC] =	stream.linear.gather [hbm4b:s13+s4], $0x80, $0x38;
	[tilespmem:$0x1E800] =	vst v63  }
0x5d: {  	s20 =	rddreg [dreg:$0xf];
	s21 =	simm.s32 $0x9  }
0x5e: {  	[tilespmem:s11], [sflag:$0xC] =	stream.linear.gather [hbm4b:s20+s4], $0x80, $0x38;
	[tilespmem:$0x1E800] =	vst v63  }
0x5f: {  	_ =	swait.ge [sflag:s21], $0x80  }
0x60: {  	[sflag:s21] =	ssyncset.done $0x0  }
0x61: {  	[sflag:s21] =	ssyncadd.s32 $0xFFFFFF80  }
0x62: {  	_ =	swait.ge [sflag:s21], $0x80  }
0x63: {  	[sflag:s21] =	ssyncset.done $0x0  }
0x64: {  	s24 =	simm.s32 $0xA;
	[sflag:s21] =	ssyncadd.s32 $0xFFFFFF80  }
0x65: {  	[tilespmem:s3], [sflag:$0x1] =	stream.indirect.gather [hbm4b:s1+s10], $0x80, s4, s10, $0xb8;
	[tilespmem:$0x1E800] =	vst v63  }
0x66: {  	_ =	swait.ge [sflag:s24], $0x80  }
0x67: {  	[sflag:s24] =	ssyncset.done $0x0  }
0x68: {  	[sflag:s24] =	ssyncadd.s32 $0xFFFFFF80  }
0x69: {  	_ =	swait.ge [sflag:s24], $0x80  }
0x6a: {  	[sflag:s24] =	ssyncset.done $0x0  }
0x6b: {  	s21 =	simm.s32 $0x0;
	[sflag:s24] =	ssyncadd.s32 $0xFFFFFF80  }
0x6c: {  	[tilespmem:s25], [sflag:$0x2] =	stream.indirect.gather [hbm4b:s1+s10], $0x80, s7, s10, $0xb8;
	[tilespmem:$0x1E800] =	vst v63  }
.LBB2_2:
0x6d: {  	p0 =	seq.s32 s21, $0x0  }
0x6e: {  	s24 =	simm.s32 @!p0 $0x7  }
0x6f: {  	_ =	swait.ge @!p0 [sflag:s24], $0x2800  }
0x70: {  	[sflag:s24] =	ssyncset.done @!p0 $0x0  }
0x71: {  	[sflag:s24] =	ssyncadd.s32 @!p0 $0xFFFFD800  }
0x72: {  	_ =	swait.ge [sflag:s14], $0x80  }
0x73: {  	[sflag:s14] =	ssyncset.done $0x0  }
0x74: {  	[sflag:s14] =	ssyncadd.s32 $0xFFFFFF80  }
0x75: {  	_ =	swait.ge [sflag:s14], $0x80  }
0x76: {  	[sflag:s14] =	ssyncset.done $0x0  }
0x77: {  	s6 =	simm.s32 $0x100;
	[sflag:s14] =	ssyncadd.s32 $0xFFFFFF80  }
0x78: {  	[tilespmem:s15], [sflag:$0x3] =	stream.indirect.gather [hbm4b:s1+s10], $0x80, s6, s10, $0xb8;
	[tilespmem:$0x1E800] =	vst v63  }
0x79: {  	_ =	swait.ge [sflag:s16], $0x2800  }
0x7a: {  	s7 =	simm.s32 $0x400;
	[sflag:s16] =	ssyncset.done $0x0;
	s13 =	rddreg [dreg:$0x8]  }
0x7b: {  	s8 =	simm.s32 $0x800;
	[sflag:s16] =	ssyncadd.s32 $0xFFFFD800;
	s24 =	sadd.s32 s21, s13  }
0x7c: {  	[spmem:s2] =	stream.indirect.scatter.add.f32 [tilespmem:s8], [sflag:$0x5], $0x80, s7, s10, $0xb8;
	[tilespmem:$0x1E800] =	vst v63  }
0x7d: {  	s3 =	simm.s32 $0x200;
	s20 =	rddreg [dreg:$0x9];
	s6 =	sadd.s32 $0x40, s24  }
0x7e: {  	[tilespmem:s3], [sflag:$0xD] =	stream.linear.gather [hbm4b:s6+s4], $0x80, $0x38;
	[tilespmem:$0x1E800] =	vst v63  }
0x7f: {  	s6 =	sadd.s32 s21, s20  }
0x80: {  	s20 =	simm.s32 $0x600;
	s7 =	sadd.s32 $0x40, s6  }
0x81: {  	[tilespmem:s20], [sflag:$0xD] =	stream.linear.gather [hbm4b:s7+s4], $0x80, $0x38;
	[tilespmem:$0x1E800] =	vst v63  }
0x82: {  	s7 =	simm.s32 @!p0 $0x8  }
0x83: {  	_ =	swait.ge @!p0 [sflag:s7], $0x2800  }
0x84: {  	[sflag:s7] =	ssyncset.done @!p0 $0x0  }
0x85: {  	[sflag:s7] =	ssyncadd.s32 @!p0 $0xFFFFD800  }
0x86: {  	_ =	swait.ge [sflag:s26], $0x80  }
0x87: {  	[sflag:s26] =	ssyncset.done $0x0  }
0x88: {  	[sflag:s26] =	ssyncadd.s32 $0xFFFFFF80  }
0x89: {  	_ =	swait.ge [sflag:s26], $0x80  }
0x8a: {  	[sflag:s26] =	ssyncset.done $0x0  }
0x8b: {  	[sflag:s26] =	ssyncadd.s32 $0xFFFFFF80  }
0x8c: {  	[tilespmem:s22], [sflag:$0x4] =	stream.indirect.gather [hbm4b:s1+s10], $0x80, s30, s10, $0xb8;
	[tilespmem:$0x1E800] =	vst v63  }
0x8d: {  	_ =	swait.ge [sflag:s23], $0x2800  }
0x8e: {  	[sflag:s23] =	ssyncset.done $0x0  }
0x8f: {  	s25 =	simm.s32 $0x480;
	s13 =	simm.s32 $0x3000;
	[sflag:s23] =	ssyncadd.s32 $0xFFFFD800  }
0x90: {  	[spmem:s2] =	stream.indirect.scatter.add.f32 [tilespmem:s13], [sflag:$0x6], $0x80, s25, s10, $0xb8;
	[tilespmem:$0x1E800] =	vst v63  }
0x91: {  	s30 =	sadd.s32 $0x50, s24;
	s25 =	simm.s32 $0x280  }
0x92: {  	[tilespmem:s25], [sflag:$0xE] =	stream.linear.gather [hbm4b:s30+s4], $0x80, $0x38;
	[tilespmem:$0x1E800] =	vst v63  }
0x93: {  	s0 =	sadd.s32 $0x50, s6;
	s30 =	simm.s32 $0x680  }
0x94: {  	[tilespmem:s30], [sflag:$0xE] =	stream.linear.gather [hbm4b:s0+s4], $0x80, $0x38;
	[tilespmem:$0x1E800] =	vst v63  }
0x95: {  	s0 =	simm.s32 $0x5  }
0x96: {  	_ =	swait.ge [sflag:s0], $0x2800  }
0x97: {  	[sflag:s0] =	ssyncset.done $0x0  }
0x98: {  	[sflag:s0] =	ssyncadd.s32 $0xFFFFD800  }
0x99: {  	_ =	swait.ge [sflag:s12], $0x80  }
0x9a: {  	[sflag:s12] =	ssyncset.done $0x0  }
0x9b: {  	[sflag:s12] =	ssyncadd.s32 $0xFFFFFF80  }
0x9c: {  	_ =	swait.ge [sflag:s12], $0x80  }
0x9d: {  	[sflag:s12] =	ssyncset.done $0x0  }
0x9e: {  	[sflag:s12] =	ssyncadd.s32 $0xFFFFFF80  }
0x9f: {  	[tilespmem:s8], [sflag:$0x1] =	stream.indirect.gather [hbm4b:s1+s10], $0x80, s3, s10, $0xb8;
	[tilespmem:$0x1E800] =	vst v63  }
0xa0: {  	_ =	swait.ge [sflag:s5], $0x2800  }
0xa1: {  	[sflag:s5] =	ssyncset.done $0x0  }
0xa2: {  	s3 =	simm.s32 $0x500;
	[sflag:s5] =	ssyncadd.s32 $0xFFFFD800  }
0xa3: {  	[spmem:s2] =	stream.indirect.scatter.add.f32 [tilespmem:s15], [sflag:$0x7], $0x80, s3, s10, $0xb8;
	[tilespmem:$0x1E800] =	vst v63  }
0xa4: {  	s0 =	sadd.s32 $0x60, s24;
	s3 =	simm.s32 $0x300  }
0xa5: {  	[tilespmem:s3], [sflag:$0xF] =	stream.linear.gather [hbm4b:s0+s4], $0x80, $0x38;
	[tilespmem:$0x1E800] =	vst v63  }
0xa6: {  	s0 =	sadd.s32 $0x60, s6  }
0xa7: {  	[tilespmem:s9], [sflag:$0xF] =	stream.linear.gather [hbm4b:s0+s4], $0x80, $0x38;
	[tilespmem:$0x1E800] =	vst v63  }
0xa8: {  	s0 =	simm.s32 $0x6  }
0xa9: {  	_ =	swait.ge [sflag:s0], $0x2800  }
0xaa: {  	[sflag:s0] =	ssyncset.done $0x0  }
0xab: {  	[sflag:s0] =	ssyncadd.s32 $0xFFFFD800  }
0xac: {  	_ =	swait.ge [sflag:s28], $0x80  }
0xad: {  	[sflag:s28] =	ssyncset.done $0x0  }
0xae: {  	[sflag:s28] =	ssyncadd.s32 $0xFFFFFF80  }
0xaf: {  	_ =	swait.ge [sflag:s28], $0x80  }
0xb0: {  	[sflag:s28] =	ssyncset.done $0x0  }
0xb1: {  	[sflag:s28] =	ssyncadd.s32 $0xFFFFFF80  }
0xb2: {  	[tilespmem:s13], [sflag:$0x2] =	stream.indirect.gather [hbm4b:s1+s10], $0x80, s25, s10, $0xb8;
	[tilespmem:$0x1E800] =	vst v63  }
0xb3: {  	_ =	swait.ge [sflag:s29], $0x2800  }
0xb4: {  	[sflag:s29] =	ssyncset.done $0x0  }
0xb5: {  	[sflag:s29] =	ssyncadd.s32 $0xFFFFD800  }
0xb6: {  	[spmem:s2] =	stream.indirect.scatter.add.f32 [tilespmem:s22], [sflag:$0x8], $0x80, s11, s10, $0xb8;
	[tilespmem:$0x1E800] =	vst v63  }
0xb7: {  	s0 =	sadd.s32 $0x70, s24;
	s11 =	simm.s32 $0x380  }
0xb8: {  	[tilespmem:s11], [sflag:$0x10] =	stream.linear.gather [hbm4b:s0+s4], $0x80, $0x38;
	[tilespmem:$0x1E800] =	vst v63  }
0xb9: {  	s6 =	sadd.s32 $0x70, s6;
	s24 =	simm.s32 $0x7;
	s0 =	simm.s32 $0x780  }
0xba: {  	[tilespmem:s0], [sflag:$0x10] =	stream.linear.gather [hbm4b:s6+s4], $0x80, $0x38;
	[tilespmem:$0x1E800] =	vst v63  }
0xbb: {  	_ =	swait.ge [sflag:s24], $0x2800  }
0xbc: {  	[sflag:s24] =	ssyncset.done $0x0  }
0xbd: {  	[sflag:s24] =	ssyncadd.s32 $0xFFFFD800  }
0xbe: {  	_ =	swait.ge [sflag:s31], $0x80  }
0xbf: {  	[sflag:s31] =	ssyncset.done $0x0  }
0xc0: {  	[sflag:s31] =	ssyncadd.s32 $0xFFFFFF80  }
0xc1: {  	_ =	swait.ge [sflag:s31], $0x80  }
0xc2: {  	[sflag:s31] =	ssyncset.done $0x0  }
0xc3: {  	[sflag:s31] =	ssyncadd.s32 $0xFFFFFF80  }
0xc4: {  	[tilespmem:s15], [sflag:$0x3] =	stream.indirect.gather [hbm4b:s1+s10], $0x80, s3, s10, $0xb8;
	[tilespmem:$0x1E800] =	vst v63  }
0xc5: {  	_ =	swait.ge [sflag:s16], $0x2800  }
0xc6: {  	[sflag:s16] =	ssyncset.done $0x0  }
0xc7: {  	p0 =	seq.s32 s21, $0x780;
	[sflag:s16] =	ssyncadd.s32 $0xFFFFD800  }
0xc8: {  	[spmem:s2] =	stream.indirect.scatter.add.f32 [tilespmem:s8], [sflag:$0x5], $0x80, s20, s10, $0xb8;
	[tilespmem:$0x1E800] =	vst v63  }
0xc9: {  	s7 =	simm.s32 @!p0 $0x0;
	s6 =	sadd.s32 @!p0 s21, s18  }
0xca: {  	[tilespmem:s7], [sflag:$0x9] =	stream.linear.gather @!p0 [hbm4b:s6+s7], $0x80, $0x38;
	[tilespmem:$0x1E800] =	vst v63  }
0xcb: {  	s25 =	simm.s32 $0x8;
	s24 =	sadd.s32 @!p0 s21, s19;
	s20 =	simm.s32 @!p0 $0x400  }
0xcc: {  	[tilespmem:s20], [sflag:$0x9] =	stream.linear.gather @!p0 [hbm4b:s24+s7], $0x80, $0x38;
	[tilespmem:$0x1E800] =	vst v63  }
0xcd: {  	_ =	swait.ge [sflag:s25], $0x2800  }
0xce: {  	[sflag:s25] =	ssyncset.done $0x0  }
0xcf: {  	[sflag:s25] =	ssyncadd.s32 $0xFFFFD800  }
0xd0: {  	_ =	swait.ge [sflag:s17], $0x80  }
0xd1: {  	[sflag:s17] =	ssyncset.done $0x0  }
0xd2: {  	[sflag:s17] =	ssyncadd.s32 $0xFFFFFF80  }
0xd3: {  	_ =	swait.ge [sflag:s17], $0x80  }
0xd4: {  	[sflag:s17] =	ssyncset.done $0x0  }
0xd5: {  	[sflag:s17] =	ssyncadd.s32 $0xFFFFFF80  }
0xd6: {  	[tilespmem:s22], [sflag:$0x4] =	stream.indirect.gather [hbm4b:s1+s10], $0x80, s11, s10, $0xb8;
	[tilespmem:$0x1E800] =	vst v63  }
0xd7: {  	_ =	swait.ge [sflag:s23], $0x2800  }
0xd8: {  	[sflag:s23] =	ssyncset.done $0x0  }
0xd9: {  	s20 =	simm.s32 @p0 $0x5;
	[sflag:s23] =	ssyncadd.s32 $0xFFFFD800  }
0xda: {  	[spmem:s2] =	stream.indirect.scatter.add.f32 [tilespmem:s13], [sflag:$0x6], $0x80, s30, s10, $0xb8;
	[tilespmem:$0x1E800] =	vst v63  }
0xdb: {  	_ =	swait.ge @p0 [sflag:s20], $0x2800  }
0xdc: {  	[sflag:s20] =	ssyncset.done @p0 $0x0  }
0xdd: {  	s30 =	simm.s32 @!p0 $0x80;
	[sflag:s20] =	ssyncadd.s32 @p0 $0xFFFFD800;
	s20 =	sadd.s32 @!p0 $0x10, s6  }
0xde: {  	[tilespmem:s30], [sflag:$0xA] =	stream.linear.gather @!p0 [hbm4b:s20+s7], $0x80, $0x38;
	[tilespmem:$0x1E800] =	vst v63  }
0xdf: {  	s8 =	simm.s32 @!p0 $0x480;
	s20 =	sadd.s32 @!p0 $0x10, s24  }
0xe0: {  	[tilespmem:s8], [sflag:$0xA] =	stream.linear.gather @!p0 [hbm4b:s20+s7], $0x80, $0x38;
	[tilespmem:$0x1E800] =	vst v63  }
0xe1: {  	s8 =	simm.s32 @!p0 $0x5  }
0xe2: {  	_ =	swait.ge @!p0 [sflag:s8], $0x2800  }
0xe3: {  	[sflag:s8] =	ssyncset.done @!p0 $0x0  }
0xe4: {  	[sflag:s8] =	ssyncadd.s32 @!p0 $0xFFFFD800;
	s8 =	simm.s32 @!p0 $0x9  }
0xe5: {  	_ =	swait.ge @!p0 [sflag:s8], $0x80  }
0xe6: {  	[sflag:s8] =	ssyncset.done @!p0 $0x0  }
0xe7: {  	[sflag:s8] =	ssyncadd.s32 @!p0 $0xFFFFFF80  }
0xe8: {  	_ =	swait.ge @!p0 [sflag:s8], $0x80  }
0xe9: {  	[sflag:s8] =	ssyncset.done @!p0 $0x0  }
0xea: {  	s20 =	simm.s32 @!p0 $0x800;
	[sflag:s8] =	ssyncadd.s32 @!p0 $0xFFFFFF80;
	s8 =	simm.s32 @!p0 $0x50  }
0xeb: {  	[tilespmem:s20], [sflag:$0x1] =	stream.indirect.gather @!p0 [hbm4b:s1+s8], $0x80, s7, s8, $0xb8;
	[tilespmem:$0x1E800] =	vst v63  }
0xec: {  	_ =	swait.ge [sflag:s5], $0x2800  }
0xed: {  	[sflag:s5] =	ssyncset.done $0x0  }
0xee: {  	s20 =	simm.s32 @p0 $0x6;
	[sflag:s5] =	ssyncadd.s32 $0xFFFFD800  }
0xef: {  	[spmem:s2] =	stream.indirect.scatter.add.f32 [tilespmem:s15], [sflag:$0x7], $0x80, s9, s10, $0xb8;
	[tilespmem:$0x1E800] =	vst v63  }
0xf0: {  	_ =	swait.ge @p0 [sflag:s20], $0x2800  }
0xf1: {  	[sflag:s20] =	ssyncset.done @p0 $0x0  }
0xf2: {  	s6 =	sadd.s32 @!p0 $0x20, s6;
	[sflag:s20] =	ssyncadd.s32 @p0 $0xFFFFD800;
	s20 =	simm.s32 @!p0 $0x100  }
0xf3: {  	[tilespmem:s20], [sflag:$0xB] =	stream.linear.gather @!p0 [hbm4b:s6+s7], $0x80, $0x38;
	[tilespmem:$0x1E800] =	vst v63  }
0xf4: {  	s6 =	sadd.s32 @!p0 $0x20, s24;
	s20 =	simm.s32 @!p0 $0x500  }
0xf5: {  	[tilespmem:s20], [sflag:$0xB] =	stream.linear.gather @!p0 [hbm4b:s6+s7], $0x80, $0x38;
	[tilespmem:$0x1E800] =	vst v63  }
0xf6: {  	s6 =	simm.s32 @!p0 $0x6  }
0xf7: {  	_ =	swait.ge @!p0 [sflag:s6], $0x2800  }
0xf8: {  	[sflag:s6] =	ssyncset.done @!p0 $0x0  }
0xf9: {  	[sflag:s6] =	ssyncadd.s32 @!p0 $0xFFFFD800;
	s6 =	simm.s32 @!p0 $0xA  }
0xfa: {  	_ =	swait.ge @!p0 [sflag:s6], $0x80  }
0xfb: {  	[sflag:s6] =	ssyncset.done @!p0 $0x0  }
0xfc: {  	[sflag:s6] =	ssyncadd.s32 @!p0 $0xFFFFFF80  }
0xfd: {  	_ =	swait.ge @!p0 [sflag:s6], $0x80  }
0xfe: {  	[sflag:s6] =	ssyncset.done @!p0 $0x0  }
0xff: {  	[sflag:s6] =	ssyncadd.s32 @!p0 $0xFFFFFF80;
	s6 =	simm.s32 @!p0 $0x3000  }
0x100: {  	[tilespmem:s6], [sflag:$0x2] =	stream.indirect.gather @!p0 [hbm4b:s1+s8], $0x80, s30, s8, $0xb8;
	[tilespmem:$0x1E800] =	vst v63  }
.Ltmp2:
0x101: {  	_ = 	snop;
	(pc) =	sbr.rel @p0 .LBB2_4-.Ltmp2, $4  }
0x102: {  	_ =	swait.ge [sflag:s29], $0x2800  }
0x103: {  	s3 =	simm.s32 $0x800;
	s25 =	simm.s32 $0x3000;
	[sflag:s29] =	ssyncset.done $0x0  }
0x104: {  	s11 =	simm.s32 $0x180;
	s13 =	simm.s32 $0x580;
	[sflag:s29] =	ssyncadd.s32 $0xFFFFD800  }
0x105: {  	[spmem:s2] =	stream.indirect.scatter.add.f32 [tilespmem:s22], [sflag:$0x8], $0x80, s0, s10, $0xb8;
	[tilespmem:$0x1E800] =	vst v63  }
.Ltmp3:
0x106: {  	s6 =	sadd.s32 s21, s18;
	(pc) =	sbr.rel .LBB2_2-.Ltmp3, $4  }
0x107: {  	s25 =	sadd.s32 s21, s19;
	s21 =	sadd.s32 $0x80, s21;
	s6 =	sadd.s32 $0x30, s6  }
0x108: {  	[tilespmem:s11], [sflag:$0xC] =	stream.linear.gather [hbm4b:s6+s4], $0x80, $0x38;
	[tilespmem:$0x1E800] =	vst v63  }
0x109: {  	s30 =	simm.s32 $0x180;
	s6 =	sadd.s32 $0x30, s25;
	s11 =	simm.s32 $0x580  }
0x10a: {  	[tilespmem:s13], [sflag:$0xC] =	stream.linear.gather [hbm4b:s6+s4], $0x80, $0x38;
	[tilespmem:$0x1E800] =	vst v63  }
.LBB2_5:
0x10b: {  	_ =	sfence.sel $0x180000  }
0x10c: {  	[bflag:$0x0] =	sbarrier.arrive $0xFFFF  }
0x10d: {  	_ =	strace $0x90000047  }
0x10e: {  	s0 =	stileid.u32;
	[bflag:$0x2] =	sbarrier.arrive $0xFFFF  }
0x10f: {  	p0 =	sne.s32 s0, $0x0;
	s0 =	rddreg [dreg:$0x4]  }
0x110: {  	s0 =	sadd.s32 @!p0 $0x100000, s0  }
0x111: {  	[sflag:s0] =	ssyncadd.tile.s32 @!p0 $0x1;
	_ =	shalt  }
.Lfunc_end2:
_tile_overlayer_lowered:
.L_overlay_start_2:
0x112: {  	(tag) =	ssettag $0x2  }
0x113: {  	s0 =	rddreg [dreg:$0x0];
	s2 =	stileid.u32  }
0x114: {  	s1 =	rddreg [dreg:$0x1];
	p0 =	sne.s32 s2, $0x0  }
0x115: {  	s3 =	rddreg [dreg:$0x2];
	[bflag:$0x3] =	sbarrier.arrive $0xFFFF;
	s2 =	simm.s32 @!p0 $0x1C11  }
0x116: {  	[timem:s3], [sflag:s2] =	dma.local @!p0 [hbm:s0], s1  }
0x117: {  	s0 =	simm.s32 @!p0 $0x11  }
0x118: {  	_ =	swait.ge @!p0 [sflag:s0], s1  }
0x119: {  	s1 =	ssub.s32 @!p0 $0x0, s1;
	[sflag:s0] =	ssyncset.done @!p0 $0x0  }
0x11a: {  	[sflag:s0] =	ssyncadd.s32 @!p0 s1  }
0x11b: {  	[bflag:$0x3] =	sbarrier.arrive $0xFFFF  }
0x11c: {  	_ =	shalt  }

</sc_bundles>
